<compile_context>
chip_gen: v7x
topology: tpu7x:2x2x1
jax: 0.10.2.dev20260603
libtpu: 0.0.44.dev20260713+nightly
codegen_flags: <defaults>
</compile_context>

<pallas_src>
import jax
import jax.numpy as jnp
from jax import lax
from jax.experimental import pallas as pl
from jax.experimental.pallas import tpu as pltpu
from jax.experimental.pallas import tpu_sc as plsc

BATCH = 4096
SEQ = 200
DIM = 64
NB = 1024

_NC = 2
_NS = 16
_L = 16
_NW = _NC * _NS
_ROWS_W = BATCH // _NW
_R = _L
_CHUNKS = _ROWS_W // _R


def _sc_hist_body(ids_hbm, out_hbm, ids_v, cnt0_v, cnt1_v, sem0, sem1):
    wid = lax.axis_index("s") * _NC + lax.axis_index("c")
    row0 = wid * _ROWS_W

    zeros16 = jnp.zeros((_L,), jnp.float32)
    ones16 = jnp.ones((_L,), jnp.float32)
    lane = lax.iota(jnp.int32, _L)
    lane_seq = lane * SEQ
    lane_nb = lane * NB

    bufs = (cnt0_v, cnt1_v)
    sems = (sem0, sem1)
    copies = [None, None]

    for ci in range(_CHUNKS):
        cnt_v = bufs[ci % 2]
        if copies[ci % 2] is not None:
            copies[ci % 2].wait()
        base = row0 + ci * _R
        pltpu.sync_copy(ids_hbm.at[pl.ds(base * SEQ, _R * SEQ)], ids_v)

        def zbody(j, _, cnt_v=cnt_v):
            for u in range(16):
                cnt_v[pl.ds((j * 16 + u) * _L, _L)] = zeros16
            return 0

        lax.fori_loop(0, _R * NB // (_L * 16), zbody, 0, unroll=False)

        def sbody(s, _, cnt_v=cnt_v):
            for u in range(4):
                ids16 = plsc.load_gather(ids_v, [lane_seq + (s * 4 + u)])
                tgt = lane_nb + jnp.bitwise_and(ids16, NB - 1)
                plsc.addupdate_scatter(cnt_v, [tgt], ones16)
            return 0

        lax.fori_loop(0, SEQ // 4, sbody, 0, unroll=False)

        copies[ci % 2] = pltpu.async_copy(
            cnt_v, out_hbm.at[pl.ds(base * NB, _R * NB)], sems[ci % 2])

    for c in copies:
        if c is not None:
            c.wait()


@jax.jit
def _sc_histogram(ids_flat):
    mesh = plsc.VectorSubcoreMesh(core_axis_name="c", subcore_axis_name="s")
    f = pl.kernel(
        _sc_hist_body,
        out_type=jax.ShapeDtypeStruct((BATCH * NB,), jnp.float32),
        mesh=mesh,
        scratch_types=[
            pltpu.VMEM((_R * SEQ,), jnp.int32),
            pltpu.VMEM((_R * NB,), jnp.float32),
            pltpu.VMEM((_R * NB,), jnp.float32),
            pltpu.SemaphoreType.DMA,
            pltpu.SemaphoreType.DMA,
        ],
        compiler_params=pltpu.CompilerParams(needs_layout_passes=False),
    )
    return f(ids_flat)


_BB = 128


def _tc_body(emb_ref, cnt_ref, hcat_ref, w_ref, b_ref, out_ref):
    t = jnp.sum(emb_ref[...], axis=1)
    esum = t[:, :DIM] + t[:, DIM:]
    hsum = jnp.dot(cnt_ref[...], hcat_ref[...],
                   preferred_element_type=jnp.float32)
    comb = (esum + hsum) * (1.0 / SEQ)
    proj = lax.dot_general(comb, w_ref[...], (((1,), (1,)), ((), ())),
                           preferred_element_type=jnp.float32)
    out_ref[...] = proj + b_ref[...]


@jax.jit
def _tc_combine(emb3, counts, hcat, w, b2):
    grid = (BATCH // _BB,)
    return pl.pallas_call(
        _tc_body,
        grid=grid,
        in_specs=[
            pl.BlockSpec((_BB, SEQ * DIM // 128, 128), lambda i: (i, 0, 0)),
            pl.BlockSpec((_BB, NB), lambda i: (i, 0)),
            pl.BlockSpec((NB, DIM), lambda i: (0, 0)),
            pl.BlockSpec((DIM, DIM), lambda i: (0, 0)),
            pl.BlockSpec((1, DIM), lambda i: (0, 0)),
        ],
        out_specs=pl.BlockSpec((_BB, DIM), lambda i: (i, 0)),
        out_shape=jax.ShapeDtypeStruct((BATCH, DIM), jnp.float32),
    )(emb3, counts, hcat, w, b2)


def kernel(item_ids, embeddings, H0, H1, H2, H3, W, b):
    ids_flat = item_ids.reshape(-1).astype(jnp.int32)
    counts = _sc_histogram(ids_flat).reshape(BATCH, NB)
    hcat = jnp.concatenate([H0, H1, H2, H3], axis=1)
    emb3 = embeddings.reshape(BATCH, SEQ * DIM // 128, 128)
    return _tc_combine(emb3, counts, hcat, W, b.reshape(1, DIM))

# --- scband reference (transcript-rebuilt; emitter-appended) ---
"""Pipeline reference for scband-sdimmodule-80247168959020 (READ-ONLY COPY).

The authoritative reference and input builder live on the scoring server;
editing this copy changes nothing except your own understanding.
"""

import jax, jax.numpy as jnp
import numpy as np

BATCH = 4096
SEQ = 200
ITEM_DIM = 64
NUM_BUCKETS = 1024
HASH_LAYERS = 4
SUB_DIM = ITEM_DIM // 4


def setup_inputs(seed: int = 0) -> dict:
    key = jax.random.key(seed)
    ks = jax.random.split(key, 3 + HASH_LAYERS)
    item_ids = jax.random.randint(ks[0], (BATCH, SEQ), 0, 100000)
    embeddings = jax.random.normal(ks[1], (BATCH, SEQ, ITEM_DIM), dtype=jnp.float32)
    inp = {"item_ids": item_ids, "embeddings": embeddings}
    for i in range(HASH_LAYERS):
        inp[f"H{i}"] = jax.random.normal(ks[2 + i], (NUM_BUCKETS, SUB_DIM), dtype=jnp.float32) * 0.02
    bound = 1.0 / np.sqrt(ITEM_DIM)
    inp["W"] = jax.random.uniform(ks[-1], (ITEM_DIM, ITEM_DIM), minval=-bound, maxval=bound, dtype=jnp.float32)
    inp["b"] = jnp.zeros((ITEM_DIM,), dtype=jnp.float32)
    return inp


def reference(item_ids, embeddings, H0, H1, H2, H3, W, b):
    bucket_ids = item_ids % NUM_BUCKETS
    hash_outputs = []
    for H in (H0, H1, H2, H3):
        h_emb = jnp.take(H, bucket_ids, axis=0)  # [B, S, sub_dim]
        hash_outputs.append(h_emb.mean(axis=1))  # [B, sub_dim]
    hash_repr = jnp.concatenate(hash_outputs, axis=-1)  # [B, item_dim]
    emb_pool = embeddings.mean(axis=1)  # [B, item_dim]
    combined = hash_repr + emb_pool
    return combined @ W.T + b

if __name__ == "__main__":
    import jax
    _d = setup_inputs()
    print(jax.jit(kernel)(*tuple(_d.values())))

</pallas_src>

<mosaic_0001>
#map = affine_map<(d0, d1) -> (0)>
module attributes {stable_mosaic.version = 14 : i64} {
  func.func @_sc_hist_body(%arg0: i32, %arg1: i32, %arg2: memref<819200xi32, #tpu.memory_space<hbm>>, %arg3: memref<4194304xf32, #tpu.memory_space<hbm>>, %arg4: memref<3200xi32, #tpu.memory_space<vmem>>, %arg5: memref<16384xf32, #tpu.memory_space<vmem>>, %arg6: memref<16384xf32, #tpu.memory_space<vmem>>, %arg7: memref<!tpu.dma_semaphore, #tpu.memory_space<semaphore_mem>>, %arg8: memref<!tpu.dma_semaphore, #tpu.memory_space<semaphore_mem>>) attributes {dimension_semantics = [#tpu.dimension_semantics<core_parallel>, #tpu.dimension_semantics<subcore_parallel>], iteration_bounds = array<i64: 2, 16>, scalar_prefetch = 0 : i64, scratch_operands = 5 : i64, tpu.core_type = #tpu.core_type<sc_vector_subcore>, window_params = [{transform_indices = #map}, {transform_indices = #map}]} {
    %mul3A = arith.constant 2 : i32
    %mul3A_0 = arith.muli %arg1, %mul3A : i32
    %add3A = arith.addi %mul3A_0, %arg0 : i32
    %mul3A_1 = arith.constant 128 : i32
    %mul3A_2 = arith.muli %add3A, %mul3A_1 : i32
    %broadcast_in_dim3A = arith.constant 0.000000e+00 : f32
    %broadcast_in_dim3A_3 = vector.broadcast %broadcast_in_dim3A : f32 to vector<16xf32>
    %broadcast_in_dim3A_4 = arith.constant 1.000000e+00 : f32
    %broadcast_in_dim3A_5 = vector.broadcast %broadcast_in_dim3A_4 : f32 to vector<16xf32>
    %iota3A = tpu.iota {dimensions = array<i32: 0>} : vector<16xi32>
    %mul3A_6 = arith.constant 200 : i32
    %mul3A_7 = vector.broadcast %mul3A_6 : i32 to vector<16xi32>
    %mul3A_8 = arith.muli %iota3A, %mul3A_7 : vector<16xi32>
    %mul3A_9 = arith.constant 1024 : i32
    %mul3A_10 = vector.broadcast %mul3A_9 : i32 to vector<16xi32>
    %mul3A_11 = arith.muli %iota3A, %mul3A_10 : vector<16xi32>
    %add3A_12 = arith.constant 0 : i32
    %add3A_13 = arith.addi %mul3A_2, %add3A_12 : i32
    %mul3A_14 = arith.constant 200 : i32
    %mul3A_15 = arith.muli %add3A_13, %mul3A_14 : i32
    "tpu.region"() ({
      %run_scoped3A = tpu.sem_alloc : memref<!tpu.dma_semaphore, #tpu.memory_space<semaphore_mem>>
      %dma_start3A_201 = tpu.memref_slice %arg2[%mul3A_15] : memref<819200xi32, #tpu.memory_space<hbm>> -> memref<3200xi32, #tpu.memory_space<hbm>>
      %dma_start3A_202 = tpu.memref_slice %arg2[%mul3A_15] : memref<819200xi32, #tpu.memory_space<hbm>> -> memref<3200xi32, #tpu.memory_space<hbm>>
      tpu.enqueue_dma source(%dma_start3A_202 : memref<3200xi32, #tpu.memory_space<hbm>>) target(%arg4 : memref<3200xi32, #tpu.memory_space<vmem>>) target_semaphore(%run_scoped3A : memref<!tpu.dma_semaphore, #tpu.memory_space<semaphore_mem>>)
      %dma_wait3A_203 = tpu.memref_slice %arg2[%mul3A_15] : memref<819200xi32, #tpu.memory_space<hbm>> -> memref<3200xi32, #tpu.memory_space<hbm>>
      %dma_wait3A_204 = tpu.memref_slice %arg2[%mul3A_15] : memref<819200xi32, #tpu.memory_space<hbm>> -> memref<3200xi32, #tpu.memory_space<hbm>>
      tpu.wait_dma2 semaphore(%run_scoped3A : memref<!tpu.dma_semaphore, #tpu.memory_space<semaphore_mem>>) src(%dma_wait3A_204 : memref<3200xi32, #tpu.memory_space<hbm>>) dst(%arg4 : memref<3200xi32, #tpu.memory_space<vmem>>)
      tpu.yield
    }) : () -> ()
    %scan3A = arith.constant 0 : i32
    %scan3A_16 = arith.constant 0 : i32
    %scan3A_17 = arith.constant 64 : i32
    %scan3A_18 = arith.addi %scan3A_16, %scan3A_17 : i32
    %scan3A_19 = arith.constant 1 : i32
    %scan3A_20 = scf.for %scan3A_201 = %scan3A_16 to %scan3A_18 step %scan3A_19 iter_args(%scan3A_202 = %scan3A) -> (i32)  : i32 {
      %mul3A_203 = arith.constant 16 : i32
      %mul3A_204 = arith.muli %scan3A_201, %mul3A_203 : i32
      %add3A_205 = arith.constant 0 : i32
      %add3A_206 = arith.addi %mul3A_204, %add3A_205 : i32
      %mul3A_207 = arith.constant 16 : i32
      %mul3A_208 = arith.muli %add3A_206, %mul3A_207 : i32
      %swap3A = arith.index_cast %mul3A_208 : i32 to index
      %swap3A_209 = tpu.vector_load %arg5[%swap3A] {strides = array<i32>} : memref<16384xf32, #tpu.memory_space<vmem>>, vector<16xf32>,
      tpu.vector_store %arg5[%swap3A], %broadcast_in_dim3A_3 {strides = array<i32>} : memref<16384xf32, #tpu.memory_space<vmem>>, vector<16xf32>,
      %mul3A_210 = arith.constant 16 : i32
      %mul3A_211 = arith.muli %scan3A_201, %mul3A_210 : i32
      %add3A_212 = arith.constant 1 : i32
      %add3A_213 = arith.addi %mul3A_211, %add3A_212 : i32
      %mul3A_214 = arith.constant 16 : i32
      %mul3A_215 = arith.muli %add3A_213, %mul3A_214 : i32
      %swap3A_216 = arith.index_cast %mul3A_215 : i32 to index
      %swap3A_217 = tpu.vector_load %arg5[%swap3A_216] {strides = array<i32>} : memref<16384xf32, #tpu.memory_space<vmem>>, vector<16xf32>,
      tpu.vector_store %arg5[%swap3A_216], %broadcast_in_dim3A_3 {strides = array<i32>} : memref<16384xf32, #tpu.memory_space<vmem>>, vector<16xf32>,
      %mul3A_218 = arith.constant 16 : i32
      %mul3A_219 = arith.muli %scan3A_201, %mul3A_218 : i32
      %add3A_220 = arith.constant 2 : i32
      %add3A_221 = arith.addi %mul3A_219, %add3A_220 : i32
      %mul3A_222 = arith.constant 16 : i32
      %mul3A_223 = arith.muli %add3A_221, %mul3A_222 : i32
      %swap3A_224 = arith.index_cast %mul3A_223 : i32 to index
      %swap3A_225 = tpu.vector_load %arg5[%swap3A_224] {strides = array<i32>} : memref<16384xf32, #tpu.memory_space<vmem>>, vector<16xf32>,
      tpu.vector_store %arg5[%swap3A_224], %broadcast_in_dim3A_3 {strides = array<i32>} : memref<16384xf32, #tpu.memory_space<vmem>>, vector<16xf32>,
      %mul3A_226 = arith.constant 16 : i32
      %mul3A_227 = arith.muli %scan3A_201, %mul3A_226 : i32
      %add3A_228 = arith.constant 3 : i32
      %add3A_229 = arith.addi %mul3A_227, %add3A_228 : i32
      %mul3A_230 = arith.constant 16 : i32
      %mul3A_231 = arith.muli %add3A_229, %mul3A_230 : i32
      %swap3A_232 = arith.index_cast %mul3A_231 : i32 to index
      %swap3A_233 = tpu.vector_load %arg5[%swap3A_232] {strides = array<i32>} : memref<16384xf32, #tpu.memory_space<vmem>>, vector<16xf32>,
      tpu.vector_store %arg5[%swap3A_232], %broadcast_in_dim3A_3 {strides = array<i32>} : memref<16384xf32, #tpu.memory_space<vmem>>, vector<16xf32>,
      %mul3A_234 = arith.constant 16 : i32
      %mul3A_235 = arith.muli %scan3A_201, %mul3A_234 : i32
      %add3A_236 = arith.constant 4 : i32
      %add3A_237 = arith.addi %mul3A_235, %add3A_236 : i32
      %mul3A_238 = arith.constant 16 : i32
      %mul3A_239 = arith.muli %add3A_237, %mul3A_238 : i32
      %swap3A_240 = arith.index_cast %mul3A_239 : i32 to index
      %swap3A_241 = tpu.vector_load %arg5[%swap3A_240] {strides = array<i32>} : memref<16384xf32, #tpu.memory_space<vmem>>, vector<16xf32>,
      tpu.vector_store %arg5[%swap3A_240], %broadcast_in_dim3A_3 {strides = array<i32>} : memref<16384xf32, #tpu.memory_space<vmem>>, vector<16xf32>,
      %mul3A_242 = arith.constant 16 : i32
      %mul3A_243 = arith.muli %scan3A_201, %mul3A_242 : i32
      %add3A_244 = arith.constant 5 : i32
      %add3A_245 = arith.addi %mul3A_243, %add3A_244 : i32
      %mul3A_246 = arith.constant 16 : i32
      %mul3A_247 = arith.muli %add3A_245, %mul3A_246 : i32
      %swap3A_248 = arith.index_cast %mul3A_247 : i32 to index
      %swap3A_249 = tpu.vector_load %arg5[%swap3A_248] {strides = array<i32>} : memref<16384xf32, #tpu.memory_space<vmem>>, vector<16xf32>,
      tpu.vector_store %arg5[%swap3A_248], %broadcast_in_dim3A_3 {strides = array<i32>} : memref<16384xf32, #tpu.memory_space<vmem>>, vector<16xf32>,
      %mul3A_250 = arith.constant 16 : i32
      %mul3A_251 = arith.muli %scan3A_201, %mul3A_250 : i32
      %add3A_252 = arith.constant 6 : i32
      %add3A_253 = arith.addi %mul3A_251, %add3A_252 : i32
      %mul3A_254 = arith.constant 16 : i32
      %mul3A_255 = arith.muli %add3A_253, %mul3A_254 : i32
      %swap3A_256 = arith.index_cast %mul3A_255 : i32 to index
      %swap3A_257 = tpu.vector_load %arg5[%swap3A_256] {strides = array<i32>} : memref<16384xf32, #tpu.memory_space<vmem>>, vector<16xf32>,
      tpu.vector_store %arg5[%swap3A_256], %broadcast_in_dim3A_3 {strides = array<i32>} : memref<16384xf32, #tpu.memory_space<vmem>>, vector<16xf32>,
      %mul3A_258 = arith.constant 16 : i32
      %mul3A_259 = arith.muli %scan3A_201, %mul3A_258 : i32
      %add3A_260 = arith.constant 7 : i32
      %add3A_261 = arith.addi %mul3A_259, %add3A_260 : i32
      %mul3A_262 = arith.constant 16 : i32
      %mul3A_263 = arith.muli %add3A_261, %mul3A_262 : i32
      %swap3A_264 = arith.index_cast %mul3A_263 : i32 to index
      %swap3A_265 = tpu.vector_load %arg5[%swap3A_264] {strides = array<i32>} : memref<16384xf32, #tpu.memory_space<vmem>>, vector<16xf32>,
      tpu.vector_store %arg5[%swap3A_264], %broadcast_in_dim3A_3 {strides = array<i32>} : memref<16384xf32, #tpu.memory_space<vmem>>, vector<16xf32>,
      %mul3A_266 = arith.constant 16 : i32
      %mul3A_267 = arith.muli %scan3A_201, %mul3A_266 : i32
      %add3A_268 = arith.constant 8 : i32
      %add3A_269 = arith.addi %mul3A_267, %add3A_268 : i32
      %mul3A_270 = arith.constant 16 : i32
      %mul3A_271 = arith.muli %add3A_269, %mul3A_270 : i32
      %swap3A_272 = arith.index_cast %mul3A_271 : i32 to index
      %swap3A_273 = tpu.vector_load %arg5[%swap3A_272] {strides = array<i32>} : memref<16384xf32, #tpu.memory_space<vmem>>, vector<16xf32>,
      tpu.vector_store %arg5[%swap3A_272], %broadcast_in_dim3A_3 {strides = array<i32>} : memref<16384xf32, #tpu.memory_space<vmem>>, vector<16xf32>,
      %mul3A_274 = arith.constant 16 : i32
      %mul3A_275 = arith.muli %scan3A_201, %mul3A_274 : i32
      %add3A_276 = arith.constant 9 : i32
      %add3A_277 = arith.addi %mul3A_275, %add3A_276 : i32
      %mul3A_278 = arith.constant 16 : i32
      %mul3A_279 = arith.muli %add3A_277, %mul3A_278 : i32
      %swap3A_280 = arith.index_cast %mul3A_279 : i32 to index
      %swap3A_281 = tpu.vector_load %arg5[%swap3A_280] {strides = array<i32>} : memref<16384xf32, #tpu.memory_space<vmem>>, vector<16xf32>,
      tpu.vector_store %arg5[%swap3A_280], %broadcast_in_dim3A_3 {strides = array<i32>} : memref<16384xf32, #tpu.memory_space<vmem>>, vector<16xf32>,
      %mul3A_282 = arith.constant 16 : i32
      %mul3A_283 = arith.muli %scan3A_201, %mul3A_282 : i32
      %add3A_284 = arith.constant 10 : i32
      %add3A_285 = arith.addi %mul3A_283, %add3A_284 : i32
      %mul3A_286 = arith.constant 16 : i32
      %mul3A_287 = arith.muli %add3A_285, %mul3A_286 : i32
      %swap3A_288 = arith.index_cast %mul3A_287 : i32 to index
      %swap3A_289 = tpu.vector_load %arg5[%swap3A_288] {strides = array<i32>} : memref<16384xf32, #tpu.memory_space<vmem>>, vector<16xf32>,
      tpu.vector_store %arg5[%swap3A_288], %broadcast_in_dim3A_3 {strides = array<i32>} : memref<16384xf32, #tpu.memory_space<vmem>>, vector<16xf32>,
      %mul3A_290 = arith.constant 16 : i32
      %mul3A_291 = arith.muli %scan3A_201, %mul3A_290 : i32
      %add3A_292 = arith.constant 11 : i32
      %add3A_293 = arith.addi %mul3A_291, %add3A_292 : i32
      %mul3A_294 = arith.constant 16 : i32
      %mul3A_295 = arith.muli %add3A_293, %mul3A_294 : i32
      %swap3A_296 = arith.index_cast %mul3A_295 : i32 to index
      %swap3A_297 = tpu.vector_load %arg5[%swap3A_296] {strides = array<i32>} : memref<16384xf32, #tpu.memory_space<vmem>>, vector<16xf32>,
      tpu.vector_store %arg5[%swap3A_296], %broadcast_in_dim3A_3 {strides = array<i32>} : memref<16384xf32, #tpu.memory_space<vmem>>, vector<16xf32>,
      %mul3A_298 = arith.constant 16 : i32
      %mul3A_299 = arith.muli %scan3A_201, %mul3A_298 : i32
      %add3A_300 = arith.constant 12 : i32
      %add3A_301 = arith.addi %mul3A_299, %add3A_300 : i32
      %mul3A_302 = arith.constant 16 : i32
      %mul3A_303 = arith.muli %add3A_301, %mul3A_302 : i32
      %swap3A_304 = arith.index_cast %mul3A_303 : i32 to index
      %swap3A_305 = tpu.vector_load %arg5[%swap3A_304] {strides = array<i32>} : memref<16384xf32, #tpu.memory_space<vmem>>, vector<16xf32>,
      tpu.vector_store %arg5[%swap3A_304], %broadcast_in_dim3A_3 {strides = array<i32>} : memref<16384xf32, #tpu.memory_space<vmem>>, vector<16xf32>,
      %mul3A_306 = arith.constant 16 : i32
      %mul3A_307 = arith.muli %scan3A_201, %mul3A_306 : i32
      %add3A_308 = arith.constant 13 : i32
      %add3A_309 = arith.addi %mul3A_307, %add3A_308 : i32
      %mul3A_310 = arith.constant 16 : i32
      %mul3A_311 = arith.muli %add3A_309, %mul3A_310 : i32
      %swap3A_312 = arith.index_cast %mul3A_311 : i32 to index
      %swap3A_313 = tpu.vector_load %arg5[%swap3A_312] {strides = array<i32>} : memref<16384xf32, #tpu.memory_space<vmem>>, vector<16xf32>,
      tpu.vector_store %arg5[%swap3A_312], %broadcast_in_dim3A_3 {strides = array<i32>} : memref<16384xf32, #tpu.memory_space<vmem>>, vector<16xf32>,
      %mul3A_314 = arith.constant 16 : i32
      %mul3A_315 = arith.muli %scan3A_201, %mul3A_314 : i32
      %add3A_316 = arith.constant 14 : i32
      %add3A_317 = arith.addi %mul3A_315, %add3A_316 : i32
      %mul3A_318 = arith.constant 16 : i32
      %mul3A_319 = arith.muli %add3A_317, %mul3A_318 : i32
      %swap3A_320 = arith.index_cast %mul3A_319 : i32 to index
      %swap3A_321 = tpu.vector_load %arg5[%swap3A_320] {strides = array<i32>} : memref<16384xf32, #tpu.memory_space<vmem>>, vector<16xf32>,
      tpu.vector_store %arg5[%swap3A_320], %broadcast_in_dim3A_3 {strides = array<i32>} : memref<16384xf32, #tpu.memory_space<vmem>>, vector<16xf32>,
      %mul3A_322 = arith.constant 16 : i32
      %mul3A_323 = arith.muli %scan3A_201, %mul3A_322 : i32
      %add3A_324 = arith.constant 15 : i32
      %add3A_325 = arith.addi %mul3A_323, %add3A_324 : i32
      %mul3A_326 = arith.constant 16 : i32
      %mul3A_327 = arith.muli %add3A_325, %mul3A_326 : i32
      %swap3A_328 = arith.index_cast %mul3A_327 : i32 to index
      %swap3A_329 = tpu.vector_load %arg5[%swap3A_328] {strides = array<i32>} : memref<16384xf32, #tpu.memory_space<vmem>>, vector<16xf32>,
      tpu.vector_store %arg5[%swap3A_328], %broadcast_in_dim3A_3 {strides = array<i32>} : memref<16384xf32, #tpu.memory_space<vmem>>, vector<16xf32>,
      %scan3A_330 = arith.constant 0 : i32
      scf.yield %scan3A_330 : i32
    }
    %scan3A_21 = arith.constant 64 : i32
    %scan3A_22 = arith.constant 0 : i32
    %scan3A_23 = arith.constant 0 : i32
    %scan3A_24 = arith.constant 50 : i32
    %scan3A_25 = arith.addi %scan3A_23, %scan3A_24 : i32
    %scan3A_26 = arith.constant 1 : i32
    %scan3A_27 = scf.for %scan3A_201 = %scan3A_23 to %scan3A_25 step %scan3A_26 iter_args(%scan3A_202 = %scan3A_22) -> (i32)  : i32 {
      %mul3A_203 = arith.constant 4 : i32
      %mul3A_204 = arith.muli %scan3A_201, %mul3A_203 : i32
      %add3A_205 = arith.constant 0 : i32
      %add3A_206 = arith.addi %mul3A_204, %add3A_205 : i32
      %add3A_207 = vector.broadcast %add3A_206 : i32 to vector<16xi32>
      %add3A_208 = arith.addi %mul3A_8, %add3A_207 : vector<16xi32>
      %gather3A = tpu.vector_load_idx %arg4[%add3A_208] : memref<3200xi32, #tpu.memory_space<vmem>>[vector<16xi32>], vector<16xi32>,
      %and3A = arith.constant 1023 : i32
      %and3A_209 = vector.broadcast %and3A : i32 to vector<16xi32>
      %and3A_210 = arith.andi %gather3A, %and3A_209 : vector<16xi32>
      %add3A_211 = arith.addi %mul3A_11, %and3A_210 : vector<16xi32>
      tpu.vector_store_idx %arg5[%add3A_211], %broadcast_in_dim3A_5 {add = true} : memref<16384xf32, #tpu.memory_space<vmem>>[vector<16xi32>], vector<16xf32>,
      %mul3A_212 = arith.constant 4 : i32
      %mul3A_213 = arith.muli %scan3A_201, %mul3A_212 : i32
      %add3A_214 = arith.constant 1 : i32
      %add3A_215 = arith.addi %mul3A_213, %add3A_214 : i32
      %add3A_216 = vector.broadcast %add3A_215 : i32 to vector<16xi32>
      %add3A_217 = arith.addi %mul3A_8, %add3A_216 : vector<16xi32>
      %gather3A_218 = tpu.vector_load_idx %arg4[%add3A_217] : memref<3200xi32, #tpu.memory_space<vmem>>[vector<16xi32>], vector<16xi32>,
      %and3A_219 = arith.constant 1023 : i32
      %and3A_220 = vector.broadcast %and3A_219 : i32 to vector<16xi32>
      %and3A_221 = arith.andi %gather3A_218, %and3A_220 : vector<16xi32>
      %add3A_222 = arith.addi %mul3A_11, %and3A_221 : vector<16xi32>
      tpu.vector_store_idx %arg5[%add3A_222], %broadcast_in_dim3A_5 {add = true} : memref<16384xf32, #tpu.memory_space<vmem>>[vector<16xi32>], vector<16xf32>,
      %mul3A_223 = arith.constant 4 : i32
      %mul3A_224 = arith.muli %scan3A_201, %mul3A_223 : i32
      %add3A_225 = arith.constant 2 : i32
      %add3A_226 = arith.addi %mul3A_224, %add3A_225 : i32
      %add3A_227 = vector.broadcast %add3A_226 : i32 to vector<16xi32>
      %add3A_228 = arith.addi %mul3A_8, %add3A_227 : vector<16xi32>
      %gather3A_229 = tpu.vector_load_idx %arg4[%add3A_228] : memref<3200xi32, #tpu.memory_space<vmem>>[vector<16xi32>], vector<16xi32>,
      %and3A_230 = arith.constant 1023 : i32
      %and3A_231 = vector.broadcast %and3A_230 : i32 to vector<16xi32>
      %and3A_232 = arith.andi %gather3A_229, %and3A_231 : vector<16xi32>
      %add3A_233 = arith.addi %mul3A_11, %and3A_232 : vector<16xi32>
      tpu.vector_store_idx %arg5[%add3A_233], %broadcast_in_dim3A_5 {add = true} : memref<16384xf32, #tpu.memory_space<vmem>>[vector<16xi32>], vector<16xf32>,
      %mul3A_234 = arith.constant 4 : i32
      %mul3A_235 = arith.muli %scan3A_201, %mul3A_234 : i32
      %add3A_236 = arith.constant 3 : i32
      %add3A_237 = arith.addi %mul3A_235, %add3A_236 : i32
      %add3A_238 = vector.broadcast %add3A_237 : i32 to vector<16xi32>
      %add3A_239 = arith.addi %mul3A_8, %add3A_238 : vector<16xi32>
      %gather3A_240 = tpu.vector_load_idx %arg4[%add3A_239] : memref<3200xi32, #tpu.memory_space<vmem>>[vector<16xi32>], vector<16xi32>,
      %and3A_241 = arith.constant 1023 : i32
      %and3A_242 = vector.broadcast %and3A_241 : i32 to vector<16xi32>
      %and3A_243 = arith.andi %gather3A_240, %and3A_242 : vector<16xi32>
      %add3A_244 = arith.addi %mul3A_11, %and3A_243 : vector<16xi32>
      tpu.vector_store_idx %arg5[%add3A_244], %broadcast_in_dim3A_5 {add = true} : memref<16384xf32, #tpu.memory_space<vmem>>[vector<16xi32>], vector<16xf32>,
      %scan3A_245 = arith.constant 0 : i32
      scf.yield %scan3A_245 : i32
    }
    %scan3A_28 = arith.constant 50 : i32
    %mul3A_29 = arith.constant 1024 : i32
    %mul3A_30 = arith.muli %add3A_13, %mul3A_29 : i32
    %dma_start3A = tpu.memref_slice %arg3[%mul3A_30] : memref<4194304xf32, #tpu.memory_space<hbm>> -> memref<16384xf32, #tpu.memory_space<hbm>>
    %dma_start3A_31 = tpu.memref_slice %arg3[%mul3A_30] : memref<4194304xf32, #tpu.memory_space<hbm>> -> memref<16384xf32, #tpu.memory_space<hbm>>
    tpu.enqueue_dma source(%arg5 : memref<16384xf32, #tpu.memory_space<vmem>>) target(%dma_start3A_31 : memref<16384xf32, #tpu.memory_space<hbm>>) target_semaphore(%arg7 : memref<!tpu.dma_semaphore, #tpu.memory_space<semaphore_mem>>)
    %add3A_32 = arith.constant 16 : i32
    %add3A_33 = arith.addi %mul3A_2, %add3A_32 : i32
    %mul3A_34 = arith.constant 200 : i32
    %mul3A_35 = arith.muli %add3A_33, %mul3A_34 : i32
    "tpu.region"() ({
      %run_scoped3A = tpu.sem_alloc : memref<!tpu.dma_semaphore, #tpu.memory_space<semaphore_mem>>
      %dma_start3A_201 = tpu.memref_slice %arg2[%mul3A_35] : memref<819200xi32, #tpu.memory_space<hbm>> -> memref<3200xi32, #tpu.memory_space<hbm>>
      %dma_start3A_202 = tpu.memref_slice %arg2[%mul3A_35] : memref<819200xi32, #tpu.memory_space<hbm>> -> memref<3200xi32, #tpu.memory_space<hbm>>
      tpu.enqueue_dma source(%dma_start3A_202 : memref<3200xi32, #tpu.memory_space<hbm>>) target(%arg4 : memref<3200xi32, #tpu.memory_space<vmem>>) target_semaphore(%run_scoped3A : memref<!tpu.dma_semaphore, #tpu.memory_space<semaphore_mem>>)
      %dma_wait3A_203 = tpu.memref_slice %arg2[%mul3A_35] : memref<819200xi32, #tpu.memory_space<hbm>> -> memref<3200xi32, #tpu.memory_space<hbm>>
      %dma_wait3A_204 = tpu.memref_slice %arg2[%mul3A_35] : memref<819200xi32, #tpu.memory_space<hbm>> -> memref<3200xi32, #tpu.memory_space<hbm>>
      tpu.wait_dma2 semaphore(%run_scoped3A : memref<!tpu.dma_semaphore, #tpu.memory_space<semaphore_mem>>) src(%dma_wait3A_204 : memref<3200xi32, #tpu.memory_space<hbm>>) dst(%arg4 : memref<3200xi32, #tpu.memory_space<vmem>>)
      tpu.yield
    }) : () -> ()
    %scan3A_36 = arith.constant 0 : i32
    %scan3A_37 = arith.constant 0 : i32
    %scan3A_38 = arith.constant 64 : i32
    %scan3A_39 = arith.addi %scan3A_37, %scan3A_38 : i32
    %scan3A_40 = arith.constant 1 : i32
    %scan3A_41 = scf.for %scan3A_201 = %scan3A_37 to %scan3A_39 step %scan3A_40 iter_args(%scan3A_202 = %scan3A_36) -> (i32)  : i32 {
      %mul3A_203 = arith.constant 16 : i32
      %mul3A_204 = arith.muli %scan3A_201, %mul3A_203 : i32
      %add3A_205 = arith.constant 0 : i32
      %add3A_206 = arith.addi %mul3A_204, %add3A_205 : i32
      %mul3A_207 = arith.constant 16 : i32
      %mul3A_208 = arith.muli %add3A_206, %mul3A_207 : i32
      %swap3A = arith.index_cast %mul3A_208 : i32 to index
      %swap3A_209 = tpu.vector_load %arg6[%swap3A] {strides = array<i32>} : memref<16384xf32, #tpu.memory_space<vmem>>, vector<16xf32>,
      tpu.vector_store %arg6[%swap3A], %broadcast_in_dim3A_3 {strides = array<i32>} : memref<16384xf32, #tpu.memory_space<vmem>>, vector<16xf32>,
      %mul3A_210 = arith.constant 16 : i32
      %mul3A_211 = arith.muli %scan3A_201, %mul3A_210 : i32
      %add3A_212 = arith.constant 1 : i32
      %add3A_213 = arith.addi %mul3A_211, %add3A_212 : i32
      %mul3A_214 = arith.constant 16 : i32
      %mul3A_215 = arith.muli %add3A_213, %mul3A_214 : i32
      %swap3A_216 = arith.index_cast %mul3A_215 : i32 to index
      %swap3A_217 = tpu.vector_load %arg6[%swap3A_216] {strides = array<i32>} : memref<16384xf32, #tpu.memory_space<vmem>>, vector<16xf32>,
      tpu.vector_store %arg6[%swap3A_216], %broadcast_in_dim3A_3 {strides = array<i32>} : memref<16384xf32, #tpu.memory_space<vmem>>, vector<16xf32>,
      %mul3A_218 = arith.constant 16 : i32
      %mul3A_219 = arith.muli %scan3A_201, %mul3A_218 : i32
      %add3A_220 = arith.constant 2 : i32
      %add3A_221 = arith.addi %mul3A_219, %add3A_220 : i32
      %mul3A_222 = arith.constant 16 : i32
      %mul3A_223 = arith.muli %add3A_221, %mul3A_222 : i32
      %swap3A_224 = arith.index_cast %mul3A_223 : i32 to index
      %swap3A_225 = tpu.vector_load %arg6[%swap3A_224] {strides = array<i32>} : memref<16384xf32, #tpu.memory_space<vmem>>, vector<16xf32>,
      tpu.vector_store %arg6[%swap3A_224], %broadcast_in_dim3A_3 {strides = array<i32>} : memref<16384xf32, #tpu.memory_space<vmem>>, vector<16xf32>,
      %mul3A_226 = arith.constant 16 : i32
      %mul3A_227 = arith.muli %scan3A_201, %mul3A_226 : i32
      %add3A_228 = arith.constant 3 : i32
      %add3A_229 = arith.addi %mul3A_227, %add3A_228 : i32
      %mul3A_230 = arith.constant 16 : i32
      %mul3A_231 = arith.muli %add3A_229, %mul3A_230 : i32
      %swap3A_232 = arith.index_cast %mul3A_231 : i32 to index
      %swap3A_233 = tpu.vector_load %arg6[%swap3A_232] {strides = array<i32>} : memref<16384xf32, #tpu.memory_space<vmem>>, vector<16xf32>,
      tpu.vector_store %arg6[%swap3A_232], %broadcast_in_dim3A_3 {strides = array<i32>} : memref<16384xf32, #tpu.memory_space<vmem>>, vector<16xf32>,
      %mul3A_234 = arith.constant 16 : i32
      %mul3A_235 = arith.muli %scan3A_201, %mul3A_234 : i32
      %add3A_236 = arith.constant 4 : i32
      %add3A_237 = arith.addi %mul3A_235, %add3A_236 : i32
      %mul3A_238 = arith.constant 16 : i32
      %mul3A_239 = arith.muli %add3A_237, %mul3A_238 : i32
      %swap3A_240 = arith.index_cast %mul3A_239 : i32 to index
      %swap3A_241 = tpu.vector_load %arg6[%swap3A_240] {strides = array<i32>} : memref<16384xf32, #tpu.memory_space<vmem>>, vector<16xf32>,
      tpu.vector_store %arg6[%swap3A_240], %broadcast_in_dim3A_3 {strides = array<i32>} : memref<16384xf32, #tpu.memory_space<vmem>>, vector<16xf32>,
      %mul3A_242 = arith.constant 16 : i32
      %mul3A_243 = arith.muli %scan3A_201, %mul3A_242 : i32
      %add3A_244 = arith.constant 5 : i32
      %add3A_245 = arith.addi %mul3A_243, %add3A_244 : i32
      %mul3A_246 = arith.constant 16 : i32
      %mul3A_247 = arith.muli %add3A_245, %mul3A_246 : i32
      %swap3A_248 = arith.index_cast %mul3A_247 : i32 to index
      %swap3A_249 = tpu.vector_load %arg6[%swap3A_248] {strides = array<i32>} : memref<16384xf32, #tpu.memory_space<vmem>>, vector<16xf32>,
      tpu.vector_store %arg6[%swap3A_248], %broadcast_in_dim3A_3 {strides = array<i32>} : memref<16384xf32, #tpu.memory_space<vmem>>, vector<16xf32>,
      %mul3A_250 = arith.constant 16 : i32
      %mul3A_251 = arith.muli %scan3A_201, %mul3A_250 : i32
      %add3A_252 = arith.constant 6 : i32
      %add3A_253 = arith.addi %mul3A_251, %add3A_252 : i32
      %mul3A_254 = arith.constant 16 : i32
      %mul3A_255 = arith.muli %add3A_253, %mul3A_254 : i32
      %swap3A_256 = arith.index_cast %mul3A_255 : i32 to index
      %swap3A_257 = tpu.vector_load %arg6[%swap3A_256] {strides = array<i32>} : memref<16384xf32, #tpu.memory_space<vmem>>, vector<16xf32>,
      tpu.vector_store %arg6[%swap3A_256], %broadcast_in_dim3A_3 {strides = array<i32>} : memref<16384xf32, #tpu.memory_space<vmem>>, vector<16xf32>,
      %mul3A_258 = arith.constant 16 : i32
      %mul3A_259 = arith.muli %scan3A_201, %mul3A_258 : i32
      %add3A_260 = arith.constant 7 : i32
      %add3A_261 = arith.addi %mul3A_259, %add3A_260 : i32
      %mul3A_262 = arith.constant 16 : i32
      %mul3A_263 = arith.muli %add3A_261, %mul3A_262 : i32
      %swap3A_264 = arith.index_cast %mul3A_263 : i32 to index
      %swap3A_265 = tpu.vector_load %arg6[%swap3A_264] {strides = array<i32>} : memref<16384xf32, #tpu.memory_space<vmem>>, vector<16xf32>,
      tpu.vector_store %arg6[%swap3A_264], %broadcast_in_dim3A_3 {strides = array<i32>} : memref<16384xf32, #tpu.memory_space<vmem>>, vector<16xf32>,
      %mul3A_266 = arith.constant 16 : i32
      %mul3A_267 = arith.muli %scan3A_201, %mul3A_266 : i32
      %add3A_268 = arith.constant 8 : i32
      %add3A_269 = arith.addi %mul3A_267, %add3A_268 : i32
      %mul3A_270 = arith.constant 16 : i32
      %mul3A_271 = arith.muli %add3A_269, %mul3A_270 : i32
      %swap3A_272 = arith.index_cast %mul3A_271 : i32 to index
      %swap3A_273 = tpu.vector_load %arg6[%swap3A_272] {strides = array<i32>} : memref<16384xf32, #tpu.memory_space<vmem>>, vector<16xf32>,
      tpu.vector_store %arg6[%swap3A_272], %broadcast_in_dim3A_3 {strides = array<i32>} : memref<16384xf32, #tpu.memory_space<vmem>>, vector<16xf32>,
      %mul3A_274 = arith.constant 16 : i32
      %mul3A_275 = arith.muli %scan3A_201, %mul3A_274 : i32
      %add3A_276 = arith.constant 9 : i32
      %add3A_277 = arith.addi %mul3A_275, %add3A_276 : i32
      %mul3A_278 = arith.constant 16 : i32
      %mul3A_279 = arith.muli %add3A_277, %mul3A_278 : i32
      %swap3A_280 = arith.index_cast %mul3A_279 : i32 to index
      %swap3A_281 = tpu.vector_load %arg6[%swap3A_280] {strides = array<i32>} : memref<16384xf32, #tpu.memory_space<vmem>>, vector<16xf32>,
      tpu.vector_store %arg6[%swap3A_280], %broadcast_in_dim3A_3 {strides = array<i32>} : memref<16384xf32, #tpu.memory_space<vmem>>, vector<16xf32>,
      %mul3A_282 = arith.constant 16 : i32
      %mul3A_283 = arith.muli %scan3A_201, %mul3A_282 : i32
      %add3A_284 = arith.constant 10 : i32
      %add3A_285 = arith.addi %mul3A_283, %add3A_284 : i32
      %mul3A_286 = arith.constant 16 : i32
      %mul3A_287 = arith.muli %add3A_285, %mul3A_286 : i32
      %swap3A_288 = arith.index_cast %mul3A_287 : i32 to index
      %swap3A_289 = tpu.vector_load %arg6[%swap3A_288] {strides = array<i32>} : memref<16384xf32, #tpu.memory_space<vmem>>, vector<16xf32>,
      tpu.vector_store %arg6[%swap3A_288], %broadcast_in_dim3A_3 {strides = array<i32>} : memref<16384xf32, #tpu.memory_space<vmem>>, vector<16xf32>,
      %mul3A_290 = arith.constant 16 : i32
      %mul3A_291 = arith.muli %scan3A_201, %mul3A_290 : i32
      %add3A_292 = arith.constant 11 : i32
      %add3A_293 = arith.addi %mul3A_291, %add3A_292 : i32
      %mul3A_294 = arith.constant 16 : i32
      %mul3A_295 = arith.muli %add3A_293, %mul3A_294 : i32
      %swap3A_296 = arith.index_cast %mul3A_295 : i32 to index
      %swap3A_297 = tpu.vector_load %arg6[%swap3A_296] {strides = array<i32>} : memref<16384xf32, #tpu.memory_space<vmem>>, vector<16xf32>,
      tpu.vector_store %arg6[%swap3A_296], %broadcast_in_dim3A_3 {strides = array<i32>} : memref<16384xf32, #tpu.memory_space<vmem>>, vector<16xf32>,
      %mul3A_298 = arith.constant 16 : i32
      %mul3A_299 = arith.muli %scan3A_201, %mul3A_298 : i32
      %add3A_300 = arith.constant 12 : i32
      %add3A_301 = arith.addi %mul3A_299, %add3A_300 : i32
      %mul3A_302 = arith.constant 16 : i32
      %mul3A_303 = arith.muli %add3A_301, %mul3A_302 : i32
      %swap3A_304 = arith.index_cast %mul3A_303 : i32 to index
      %swap3A_305 = tpu.vector_load %arg6[%swap3A_304] {strides = array<i32>} : memref<16384xf32, #tpu.memory_space<vmem>>, vector<16xf32>,
      tpu.vector_store %arg6[%swap3A_304], %broadcast_in_dim3A_3 {strides = array<i32>} : memref<16384xf32, #tpu.memory_space<vmem>>, vector<16xf32>,
      %mul3A_306 = arith.constant 16 : i32
      %mul3A_307 = arith.muli %scan3A_201, %mul3A_306 : i32
      %add3A_308 = arith.constant 13 : i32
      %add3A_309 = arith.addi %mul3A_307, %add3A_308 : i32
      %mul3A_310 = arith.constant 16 : i32
      %mul3A_311 = arith.muli %add3A_309, %mul3A_310 : i32
      %swap3A_312 = arith.index_cast %mul3A_311 : i32 to index
      %swap3A_313 = tpu.vector_load %arg6[%swap3A_312] {strides = array<i32>} : memref<16384xf32, #tpu.memory_space<vmem>>, vector<16xf32>,
      tpu.vector_store %arg6[%swap3A_312], %broadcast_in_dim3A_3 {strides = array<i32>} : memref<16384xf32, #tpu.memory_space<vmem>>, vector<16xf32>,
      %mul3A_314 = arith.constant 16 : i32
      %mul3A_315 = arith.muli %scan3A_201, %mul3A_314 : i32
      %add3A_316 = arith.constant 14 : i32
      %add3A_317 = arith.addi %mul3A_315, %add3A_316 : i32
      %mul3A_318 = arith.constant 16 : i32
      %mul3A_319 = arith.muli %add3A_317, %mul3A_318 : i32
      %swap3A_320 = arith.index_cast %mul3A_319 : i32 to index
      %swap3A_321 = tpu.vector_load %arg6[%swap3A_320] {strides = array<i32>} : memref<16384xf32, #tpu.memory_space<vmem>>, vector<16xf32>,
      tpu.vector_store %arg6[%swap3A_320], %broadcast_in_dim3A_3 {strides = array<i32>} : memref<16384xf32, #tpu.memory_space<vmem>>, vector<16xf32>,
      %mul3A_322 = arith.constant 16 : i32
      %mul3A_323 = arith.muli %scan3A_201, %mul3A_322 : i32
      %add3A_324 = arith.constant 15 : i32
      %add3A_325 = arith.addi %mul3A_323, %add3A_324 : i32
      %mul3A_326 = arith.constant 16 : i32
      %mul3A_327 = arith.muli %add3A_325, %mul3A_326 : i32
      %swap3A_328 = arith.index_cast %mul3A_327 : i32 to index
      %swap3A_329 = tpu.vector_load %arg6[%swap3A_328] {strides = array<i32>} : memref<16384xf32, #tpu.memory_space<vmem>>, vector<16xf32>,
      tpu.vector_store %arg6[%swap3A_328], %broadcast_in_dim3A_3 {strides = array<i32>} : memref<16384xf32, #tpu.memory_space<vmem>>, vector<16xf32>,
      %scan3A_330 = arith.constant 0 : i32
      scf.yield %scan3A_330 : i32
    }
    %scan3A_42 = arith.constant 64 : i32
    %scan3A_43 = arith.constant 0 : i32
    %scan3A_44 = arith.constant 0 : i32
    %scan3A_45 = arith.constant 50 : i32
    %scan3A_46 = arith.addi %scan3A_44, %scan3A_45 : i32
    %scan3A_47 = arith.constant 1 : i32
    %scan3A_48 = scf.for %scan3A_201 = %scan3A_44 to %scan3A_46 step %scan3A_47 iter_args(%scan3A_202 = %scan3A_43) -> (i32)  : i32 {
      %mul3A_203 = arith.constant 4 : i32
      %mul3A_204 = arith.muli %scan3A_201, %mul3A_203 : i32
      %add3A_205 = arith.constant 0 : i32
      %add3A_206 = arith.addi %mul3A_204, %add3A_205 : i32
      %add3A_207 = vector.broadcast %add3A_206 : i32 to vector<16xi32>
      %add3A_208 = arith.addi %mul3A_8, %add3A_207 : vector<16xi32>
      %gather3A = tpu.vector_load_idx %arg4[%add3A_208] : memref<3200xi32, #tpu.memory_space<vmem>>[vector<16xi32>], vector<16xi32>,
      %and3A = arith.constant 1023 : i32
      %and3A_209 = vector.broadcast %and3A : i32 to vector<16xi32>
      %and3A_210 = arith.andi %gather3A, %and3A_209 : vector<16xi32>
      %add3A_211 = arith.addi %mul3A_11, %and3A_210 : vector<16xi32>
      tpu.vector_store_idx %arg6[%add3A_211], %broadcast_in_dim3A_5 {add = true} : memref<16384xf32, #tpu.memory_space<vmem>>[vector<16xi32>], vector<16xf32>,
      %mul3A_212 = arith.constant 4 : i32
      %mul3A_213 = arith.muli %scan3A_201, %mul3A_212 : i32
      %add3A_214 = arith.constant 1 : i32
      %add3A_215 = arith.addi %mul3A_213, %add3A_214 : i32
      %add3A_216 = vector.broadcast %add3A_215 : i32 to vector<16xi32>
      %add3A_217 = arith.addi %mul3A_8, %add3A_216 : vector<16xi32>
      %gather3A_218 = tpu.vector_load_idx %arg4[%add3A_217] : memref<3200xi32, #tpu.memory_space<vmem>>[vector<16xi32>], vector<16xi32>,
      %and3A_219 = arith.constant 1023 : i32
      %and3A_220 = vector.broadcast %and3A_219 : i32 to vector<16xi32>
      %and3A_221 = arith.andi %gather3A_218, %and3A_220 : vector<16xi32>
      %add3A_222 = arith.addi %mul3A_11, %and3A_221 : vector<16xi32>
      tpu.vector_store_idx %arg6[%add3A_222], %broadcast_in_dim3A_5 {add = true} : memref<16384xf32, #tpu.memory_space<vmem>>[vector<16xi32>], vector<16xf32>,
      %mul3A_223 = arith.constant 4 : i32
      %mul3A_224 = arith.muli %scan3A_201, %mul3A_223 : i32
      %add3A_225 = arith.constant 2 : i32
      %add3A_226 = arith.addi %mul3A_224, %add3A_225 : i32
      %add3A_227 = vector.broadcast %add3A_226 : i32 to vector<16xi32>
      %add3A_228 = arith.addi %mul3A_8, %add3A_227 : vector<16xi32>
      %gather3A_229 = tpu.vector_load_idx %arg4[%add3A_228] : memref<3200xi32, #tpu.memory_space<vmem>>[vector<16xi32>], vector<16xi32>,
      %and3A_230 = arith.constant 1023 : i32
      %and3A_231 = vector.broadcast %and3A_230 : i32 to vector<16xi32>
      %and3A_232 = arith.andi %gather3A_229, %and3A_231 : vector<16xi32>
      %add3A_233 = arith.addi %mul3A_11, %and3A_232 : vector<16xi32>
      tpu.vector_store_idx %arg6[%add3A_233], %broadcast_in_dim3A_5 {add = true} : memref<16384xf32, #tpu.memory_space<vmem>>[vector<16xi32>], vector<16xf32>,
      %mul3A_234 = arith.constant 4 : i32
      %mul3A_235 = arith.muli %scan3A_201, %mul3A_234 : i32
      %add3A_236 = arith.constant 3 : i32
      %add3A_237 = arith.addi %mul3A_235, %add3A_236 : i32
      %add3A_238 = vector.broadcast %add3A_237 : i32 to vector<16xi32>
      %add3A_239 = arith.addi %mul3A_8, %add3A_238 : vector<16xi32>
      %gather3A_240 = tpu.vector_load_idx %arg4[%add3A_239] : memref<3200xi32, #tpu.memory_space<vmem>>[vector<16xi32>], vector<16xi32>,
      %and3A_241 = arith.constant 1023 : i32
      %and3A_242 = vector.broadcast %and3A_241 : i32 to vector<16xi32>
      %and3A_243 = arith.andi %gather3A_240, %and3A_242 : vector<16xi32>
      %add3A_244 = arith.addi %mul3A_11, %and3A_243 : vector<16xi32>
      tpu.vector_store_idx %arg6[%add3A_244], %broadcast_in_dim3A_5 {add = true} : memref<16384xf32, #tpu.memory_space<vmem>>[vector<16xi32>], vector<16xf32>,
      %scan3A_245 = arith.constant 0 : i32
      scf.yield %scan3A_245 : i32
    }
    %scan3A_49 = arith.constant 50 : i32
    %mul3A_50 = arith.constant 1024 : i32
    %mul3A_51 = arith.muli %add3A_33, %mul3A_50 : i32
    %dma_start3A_52 = tpu.memref_slice %arg3[%mul3A_51] : memref<4194304xf32, #tpu.memory_space<hbm>> -> memref<16384xf32, #tpu.memory_space<hbm>>
    %dma_start3A_53 = tpu.memref_slice %arg3[%mul3A_51] : memref<4194304xf32, #tpu.memory_space<hbm>> -> memref<16384xf32, #tpu.memory_space<hbm>>
    tpu.enqueue_dma source(%arg6 : memref<16384xf32, #tpu.memory_space<vmem>>) target(%dma_start3A_53 : memref<16384xf32, #tpu.memory_space<hbm>>) target_semaphore(%arg8 : memref<!tpu.dma_semaphore, #tpu.memory_space<semaphore_mem>>)
    %dma_wait3A = tpu.memref_slice %arg3[%mul3A_30] : memref<4194304xf32, #tpu.memory_space<hbm>> -> memref<16384xf32, #tpu.memory_space<hbm>>
    %dma_wait3A_54 = tpu.memref_slice %arg3[%mul3A_30] : memref<4194304xf32, #tpu.memory_space<hbm>> -> memref<16384xf32, #tpu.memory_space<hbm>>
    tpu.wait_dma2 semaphore(%arg7 : memref<!tpu.dma_semaphore, #tpu.memory_space<semaphore_mem>>) src(%arg5 : memref<16384xf32, #tpu.memory_space<vmem>>) dst(%dma_wait3A_54 : memref<16384xf32, #tpu.memory_space<hbm>>)
    %add3A_55 = arith.constant 32 : i32
    %add3A_56 = arith.addi %mul3A_2, %add3A_55 : i32
    %mul3A_57 = arith.constant 200 : i32
    %mul3A_58 = arith.muli %add3A_56, %mul3A_57 : i32
    "tpu.region"() ({
      %run_scoped3A = tpu.sem_alloc : memref<!tpu.dma_semaphore, #tpu.memory_space<semaphore_mem>>
      %dma_start3A_201 = tpu.memref_slice %arg2[%mul3A_58] : memref<819200xi32, #tpu.memory_space<hbm>> -> memref<3200xi32, #tpu.memory_space<hbm>>
      %dma_start3A_202 = tpu.memref_slice %arg2[%mul3A_58] : memref<819200xi32, #tpu.memory_space<hbm>> -> memref<3200xi32, #tpu.memory_space<hbm>>
      tpu.enqueue_dma source(%dma_start3A_202 : memref<3200xi32, #tpu.memory_space<hbm>>) target(%arg4 : memref<3200xi32, #tpu.memory_space<vmem>>) target_semaphore(%run_scoped3A : memref<!tpu.dma_semaphore, #tpu.memory_space<semaphore_mem>>)
      %dma_wait3A_203 = tpu.memref_slice %arg2[%mul3A_58] : memref<819200xi32, #tpu.memory_space<hbm>> -> memref<3200xi32, #tpu.memory_space<hbm>>
      %dma_wait3A_204 = tpu.memref_slice %arg2[%mul3A_58] : memref<819200xi32, #tpu.memory_space<hbm>> -> memref<3200xi32, #tpu.memory_space<hbm>>
      tpu.wait_dma2 semaphore(%run_scoped3A : memref<!tpu.dma_semaphore, #tpu.memory_space<semaphore_mem>>) src(%dma_wait3A_204 : memref<3200xi32, #tpu.memory_space<hbm>>) dst(%arg4 : memref<3200xi32, #tpu.memory_space<vmem>>)
      tpu.yield
    }) : () -> ()
    %scan3A_59 = arith.constant 0 : i32
    %scan3A_60 = arith.constant 0 : i32
    %scan3A_61 = arith.constant 64 : i32
    %scan3A_62 = arith.addi %scan3A_60, %scan3A_61 : i32
    %scan3A_63 = arith.constant 1 : i32
    %scan3A_64 = scf.for %scan3A_201 = %scan3A_60 to %scan3A_62 step %scan3A_63 iter_args(%scan3A_202 = %scan3A_59) -> (i32)  : i32 {
      %mul3A_203 = arith.constant 16 : i32
      %mul3A_204 = arith.muli %scan3A_201, %mul3A_203 : i32
      %add3A_205 = arith.constant 0 : i32
      %add3A_206 = arith.addi %mul3A_204, %add3A_205 : i32
      %mul3A_207 = arith.constant 16 : i32
      %mul3A_208 = arith.muli %add3A_206, %mul3A_207 : i32
      %swap3A = arith.index_cast %mul3A_208 : i32 to index
      %swap3A_209 = tpu.vector_load %arg5[%swap3A] {strides = array<i32>} : memref<16384xf32, #tpu.memory_space<vmem>>, vector<16xf32>,
      tpu.vector_store %arg5[%swap3A], %broadcast_in_dim3A_3 {strides = array<i32>} : memref<16384xf32, #tpu.memory_space<vmem>>, vector<16xf32>,
      %mul3A_210 = arith.constant 16 : i32
      %mul3A_211 = arith.muli %scan3A_201, %mul3A_210 : i32
      %add3A_212 = arith.constant 1 : i32
      %add3A_213 = arith.addi %mul3A_211, %add3A_212 : i32
      %mul3A_214 = arith.constant 16 : i32
      %mul3A_215 = arith.muli %add3A_213, %mul3A_214 : i32
      %swap3A_216 = arith.index_cast %mul3A_215 : i32 to index
      %swap3A_217 = tpu.vector_load %arg5[%swap3A_216] {strides = array<i32>} : memref<16384xf32, #tpu.memory_space<vmem>>, vector<16xf32>,
      tpu.vector_store %arg5[%swap3A_216], %broadcast_in_dim3A_3 {strides = array<i32>} : memref<16384xf32, #tpu.memory_space<vmem>>, vector<16xf32>,
      %mul3A_218 = arith.constant 16 : i32
      %mul3A_219 = arith.muli %scan3A_201, %mul3A_218 : i32
      %add3A_220 = arith.constant 2 : i32
      %add3A_221 = arith.addi %mul3A_219, %add3A_220 : i32
      %mul3A_222 = arith.constant 16 : i32
      %mul3A_223 = arith.muli %add3A_221, %mul3A_222 : i32
      %swap3A_224 = arith.index_cast %mul3A_223 : i32 to index
      %swap3A_225 = tpu.vector_load %arg5[%swap3A_224] {strides = array<i32>} : memref<16384xf32, #tpu.memory_space<vmem>>, vector<16xf32>,
      tpu.vector_store %arg5[%swap3A_224], %broadcast_in_dim3A_3 {strides = array<i32>} : memref<16384xf32, #tpu.memory_space<vmem>>, vector<16xf32>,
      %mul3A_226 = arith.constant 16 : i32
      %mul3A_227 = arith.muli %scan3A_201, %mul3A_226 : i32
      %add3A_228 = arith.constant 3 : i32
      %add3A_229 = arith.addi %mul3A_227, %add3A_228 : i32
      %mul3A_230 = arith.constant 16 : i32
      %mul3A_231 = arith.muli %add3A_229, %mul3A_230 : i32
      %swap3A_232 = arith.index_cast %mul3A_231 : i32 to index
      %swap3A_233 = tpu.vector_load %arg5[%swap3A_232] {strides = array<i32>} : memref<16384xf32, #tpu.memory_space<vmem>>, vector<16xf32>,
      tpu.vector_store %arg5[%swap3A_232], %broadcast_in_dim3A_3 {strides = array<i32>} : memref<16384xf32, #tpu.memory_space<vmem>>, vector<16xf32>,
      %mul3A_234 = arith.constant 16 : i32
      %mul3A_235 = arith.muli %scan3A_201, %mul3A_234 : i32
      %add3A_236 = arith.constant 4 : i32
      %add3A_237 = arith.addi %mul3A_235, %add3A_236 : i32
      %mul3A_238 = arith.constant 16 : i32
      %mul3A_239 = arith.muli %add3A_237, %mul3A_238 : i32
      %swap3A_240 = arith.index_cast %mul3A_239 : i32 to index
      %swap3A_241 = tpu.vector_load %arg5[%swap3A_240] {strides = array<i32>} : memref<16384xf32, #tpu.memory_space<vmem>>, vector<16xf32>,
      tpu.vector_store %arg5[%swap3A_240], %broadcast_in_dim3A_3 {strides = array<i32>} : memref<16384xf32, #tpu.memory_space<vmem>>, vector<16xf32>,
      %mul3A_242 = arith.constant 16 : i32
      %mul3A_243 = arith.muli %scan3A_201, %mul3A_242 : i32
      %add3A_244 = arith.constant 5 : i32
      %add3A_245 = arith.addi %mul3A_243, %add3A_244 : i32
      %mul3A_246 = arith.constant 16 : i32
      %mul3A_247 = arith.muli %add3A_245, %mul3A_246 : i32
      %swap3A_248 = arith.index_cast %mul3A_247 : i32 to index
      %swap3A_249 = tpu.vector_load %arg5[%swap3A_248] {strides = array<i32>} : memref<16384xf32, #tpu.memory_space<vmem>>, vector<16xf32>,
      tpu.vector_store %arg5[%swap3A_248], %broadcast_in_dim3A_3 {strides = array<i32>} : memref<16384xf32, #tpu.memory_space<vmem>>, vector<16xf32>,
      %mul3A_250 = arith.constant 16 : i32
      %mul3A_251 = arith.muli %scan3A_201, %mul3A_250 : i32
      %add3A_252 = arith.constant 6 : i32
      %add3A_253 = arith.addi %mul3A_251, %add3A_252 : i32
      %mul3A_254 = arith.constant 16 : i32
      %mul3A_255 = arith.muli %add3A_253, %mul3A_254 : i32
      %swap3A_256 = arith.index_cast %mul3A_255 : i32 to index
      %swap3A_257 = tpu.vector_load %arg5[%swap3A_256] {strides = array<i32>} : memref<16384xf32, #tpu.memory_space<vmem>>, vector<16xf32>,
      tpu.vector_store %arg5[%swap3A_256], %broadcast_in_dim3A_3 {strides = array<i32>} : memref<16384xf32, #tpu.memory_space<vmem>>, vector<16xf32>,
      %mul3A_258 = arith.constant 16 : i32
      %mul3A_259 = arith.muli %scan3A_201, %mul3A_258 : i32
      %add3A_260 = arith.constant 7 : i32
      %add3A_261 = arith.addi %mul3A_259, %add3A_260 : i32
      %mul3A_262 = arith.constant 16 : i32
      %mul3A_263 = arith.muli %add3A_261, %mul3A_262 : i32
      %swap3A_264 = arith.index_cast %mul3A_263 : i32 to index
      %swap3A_265 = tpu.vector_load %arg5[%swap3A_264] {strides = array<i32>} : memref<16384xf32, #tpu.memory_space<vmem>>, vector<16xf32>,
      tpu.vector_store %arg5[%swap3A_264], %broadcast_in_dim3A_3 {strides = array<i32>} : memref<16384xf32, #tpu.memory_space<vmem>>, vector<16xf32>,
      %mul3A_266 = arith.constant 16 : i32
      %mul3A_267 = arith.muli %scan3A_201, %mul3A_266 : i32
      %add3A_268 = arith.constant 8 : i32
      %add3A_269 = arith.addi %mul3A_267, %add3A_268 : i32
      %mul3A_270 = arith.constant 16 : i32
      %mul3A_271 = arith.muli %add3A_269, %mul3A_270 : i32
      %swap3A_272 = arith.index_cast %mul3A_271 : i32 to index
      %swap3A_273 = tpu.vector_load %arg5[%swap3A_272] {strides = array<i32>} : memref<16384xf32, #tpu.memory_space<vmem>>, vector<16xf32>,
      tpu.vector_store %arg5[%swap3A_272], %broadcast_in_dim3A_3 {strides = array<i32>} : memref<16384xf32, #tpu.memory_space<vmem>>, vector<16xf32>,
      %mul3A_274 = arith.constant 16 : i32
      %mul3A_275 = arith.muli %scan3A_201, %mul3A_274 : i32
      %add3A_276 = arith.constant 9 : i32
      %add3A_277 = arith.addi %mul3A_275, %add3A_276 : i32
      %mul3A_278 = arith.constant 16 : i32
      %mul3A_279 = arith.muli %add3A_277, %mul3A_278 : i32
      %swap3A_280 = arith.index_cast %mul3A_279 : i32 to index
      %swap3A_281 = tpu.vector_load %arg5[%swap3A_280] {strides = array<i32>} : memref<16384xf32, #tpu.memory_space<vmem>>, vector<16xf32>,
      tpu.vector_store %arg5[%swap3A_280], %broadcast_in_dim3A_3 {strides = array<i32>} : memref<16384xf32, #tpu.memory_space<vmem>>, vector<16xf32>,
      %mul3A_282 = arith.constant 16 : i32
      %mul3A_283 = arith.muli %scan3A_201, %mul3A_282 : i32
      %add3A_284 = arith.constant 10 : i32
      %add3A_285 = arith.addi %mul3A_283, %add3A_284 : i32
      %mul3A_286 = arith.constant 16 : i32
      %mul3A_287 = arith.muli %add3A_285, %mul3A_286 : i32
      %swap3A_288 = arith.index_cast %mul3A_287 : i32 to index
      %swap3A_289 = tpu.vector_load %arg5[%swap3A_288] {strides = array<i32>} : memref<16384xf32, #tpu.memory_space<vmem>>, vector<16xf32>,
      tpu.vector_store %arg5[%swap3A_288], %broadcast_in_dim3A_3 {strides = array<i32>} : memref<16384xf32, #tpu.memory_space<vmem>>, vector<16xf32>,
      %mul3A_290 = arith.constant 16 : i32
      %mul3A_291 = arith.muli %scan3A_201, %mul3A_290 : i32
      %add3A_292 = arith.constant 11 : i32
      %add3A_293 = arith.addi %mul3A_291, %add3A_292 : i32
      %mul3A_294 = arith.constant 16 : i32
      %mul3A_295 = arith.muli %add3A_293, %mul3A_294 : i32
      %swap3A_296 = arith.index_cast %mul3A_295 : i32 to index
      %swap3A_297 = tpu.vector_load %arg5[%swap3A_296] {strides = array<i32>} : memref<16384xf32, #tpu.memory_space<vmem>>, vector<16xf32>,
      tpu.vector_store %arg5[%swap3A_296], %broadcast_in_dim3A_3 {strides = array<i32>} : memref<16384xf32, #tpu.memory_space<vmem>>, vector<16xf32>,
      %mul3A_298 = arith.constant 16 : i32
      %mul3A_299 = arith.muli %scan3A_201, %mul3A_298 : i32
      %add3A_300 = arith.constant 12 : i32
      %add3A_301 = arith.addi %mul3A_299, %add3A_300 : i32
      %mul3A_302 = arith.constant 16 : i32
      %mul3A_303 = arith.muli %add3A_301, %mul3A_302 : i32
      %swap3A_304 = arith.index_cast %mul3A_303 : i32 to index
      %swap3A_305 = tpu.vector_load %arg5[%swap3A_304] {strides = array<i32>} : memref<16384xf32, #tpu.memory_space<vmem>>, vector<16xf32>,
      tpu.vector_store %arg5[%swap3A_304], %broadcast_in_dim3A_3 {strides = array<i32>} : memref<16384xf32, #tpu.memory_space<vmem>>, vector<16xf32>,
      %mul3A_306 = arith.constant 16 : i32
      %mul3A_307 = arith.muli %scan3A_201, %mul3A_306 : i32
      %add3A_308 = arith.constant 13 : i32
      %add3A_309 = arith.addi %mul3A_307, %add3A_308 : i32
      %mul3A_310 = arith.constant 16 : i32
      %mul3A_311 = arith.muli %add3A_309, %mul3A_310 : i32
      %swap3A_312 = arith.index_cast %mul3A_311 : i32 to index
      %swap3A_313 = tpu.vector_load %arg5[%swap3A_312] {strides = array<i32>} : memref<16384xf32, #tpu.memory_space<vmem>>, vector<16xf32>,
      tpu.vector_store %arg5[%swap3A_312], %broadcast_in_dim3A_3 {strides = array<i32>} : memref<16384xf32, #tpu.memory_space<vmem>>, vector<16xf32>,
      %mul3A_314 = arith.constant 16 : i32
      %mul3A_315 = arith.muli %scan3A_201, %mul3A_314 : i32
      %add3A_316 = arith.constant 14 : i32
      %add3A_317 = arith.addi %mul3A_315, %add3A_316 : i32
      %mul3A_318 = arith.constant 16 : i32
      %mul3A_319 = arith.muli %add3A_317, %mul3A_318 : i32
      %swap3A_320 = arith.index_cast %mul3A_319 : i32 to index
      %swap3A_321 = tpu.vector_load %arg5[%swap3A_320] {strides = array<i32>} : memref<16384xf32, #tpu.memory_space<vmem>>, vector<16xf32>,
      tpu.vector_store %arg5[%swap3A_320], %broadcast_in_dim3A_3 {strides = array<i32>} : memref<16384xf32, #tpu.memory_space<vmem>>, vector<16xf32>,
      %mul3A_322 = arith.constant 16 : i32
      %mul3A_323 = arith.muli %scan3A_201, %mul3A_322 : i32
      %add3A_324 = arith.constant 15 : i32
      %add3A_325 = arith.addi %mul3A_323, %add3A_324 : i32
      %mul3A_326 = arith.constant 16 : i32
      %mul3A_327 = arith.muli %add3A_325, %mul3A_326 : i32
      %swap3A_328 = arith.index_cast %mul3A_327 : i32 to index
      %swap3A_329 = tpu.vector_load %arg5[%swap3A_328] {strides = array<i32>} : memref<16384xf32, #tpu.memory_space<vmem>>, vector<16xf32>,
      tpu.vector_store %arg5[%swap3A_328], %broadcast_in_dim3A_3 {strides = array<i32>} : memref<16384xf32, #tpu.memory_space<vmem>>, vector<16xf32>,
      %scan3A_330 = arith.constant 0 : i32
      scf.yield %scan3A_330 : i32
    }
    %scan3A_65 = arith.constant 64 : i32
    %scan3A_66 = arith.constant 0 : i32
    %scan3A_67 = arith.constant 0 : i32
    %scan3A_68 = arith.constant 50 : i32
    %scan3A_69 = arith.addi %scan3A_67, %scan3A_68 : i32
    %scan3A_70 = arith.constant 1 : i32
    %scan3A_71 = scf.for %scan3A_201 = %scan3A_67 to %scan3A_69 step %scan3A_70 iter_args(%scan3A_202 = %scan3A_66) -> (i32)  : i32 {
      %mul3A_203 = arith.constant 4 : i32
      %mul3A_204 = arith.muli %scan3A_201, %mul3A_203 : i32
      %add3A_205 = arith.constant 0 : i32
      %add3A_206 = arith.addi %mul3A_204, %add3A_205 : i32
      %add3A_207 = vector.broadcast %add3A_206 : i32 to vector<16xi32>
      %add3A_208 = arith.addi %mul3A_8, %add3A_207 : vector<16xi32>
      %gather3A = tpu.vector_load_idx %arg4[%add3A_208] : memref<3200xi32, #tpu.memory_space<vmem>>[vector<16xi32>], vector<16xi32>,
      %and3A = arith.constant 1023 : i32
      %and3A_209 = vector.broadcast %and3A : i32 to vector<16xi32>
      %and3A_210 = arith.andi %gather3A, %and3A_209 : vector<16xi32>
      %add3A_211 = arith.addi %mul3A_11, %and3A_210 : vector<16xi32>
      tpu.vector_store_idx %arg5[%add3A_211], %broadcast_in_dim3A_5 {add = true} : memref<16384xf32, #tpu.memory_space<vmem>>[vector<16xi32>], vector<16xf32>,
      %mul3A_212 = arith.constant 4 : i32
      %mul3A_213 = arith.muli %scan3A_201, %mul3A_212 : i32
      %add3A_214 = arith.constant 1 : i32
      %add3A_215 = arith.addi %mul3A_213, %add3A_214 : i32
      %add3A_216 = vector.broadcast %add3A_215 : i32 to vector<16xi32>
      %add3A_217 = arith.addi %mul3A_8, %add3A_216 : vector<16xi32>
      %gather3A_218 = tpu.vector_load_idx %arg4[%add3A_217] : memref<3200xi32, #tpu.memory_space<vmem>>[vector<16xi32>], vector<16xi32>,
      %and3A_219 = arith.constant 1023 : i32
      %and3A_220 = vector.broadcast %and3A_219 : i32 to vector<16xi32>
      %and3A_221 = arith.andi %gather3A_218, %and3A_220 : vector<16xi32>
      %add3A_222 = arith.addi %mul3A_11, %and3A_221 : vector<16xi32>
      tpu.vector_store_idx %arg5[%add3A_222], %broadcast_in_dim3A_5 {add = true} : memref<16384xf32, #tpu.memory_space<vmem>>[vector<16xi32>], vector<16xf32>,
      %mul3A_223 = arith.constant 4 : i32
      %mul3A_224 = arith.muli %scan3A_201, %mul3A_223 : i32
      %add3A_225 = arith.constant 2 : i32
      %add3A_226 = arith.addi %mul3A_224, %add3A_225 : i32
      %add3A_227 = vector.broadcast %add3A_226 : i32 to vector<16xi32>
      %add3A_228 = arith.addi %mul3A_8, %add3A_227 : vector<16xi32>
      %gather3A_229 = tpu.vector_load_idx %arg4[%add3A_228] : memref<3200xi32, #tpu.memory_space<vmem>>[vector<16xi32>], vector<16xi32>,
      %and3A_230 = arith.constant 1023 : i32
      %and3A_231 = vector.broadcast %and3A_230 : i32 to vector<16xi32>
      %and3A_232 = arith.andi %gather3A_229, %and3A_231 : vector<16xi32>
      %add3A_233 = arith.addi %mul3A_11, %and3A_232 : vector<16xi32>
      tpu.vector_store_idx %arg5[%add3A_233], %broadcast_in_dim3A_5 {add = true} : memref<16384xf32, #tpu.memory_space<vmem>>[vector<16xi32>], vector<16xf32>,
      %mul3A_234 = arith.constant 4 : i32
      %mul3A_235 = arith.muli %scan3A_201, %mul3A_234 : i32
      %add3A_236 = arith.constant 3 : i32
      %add3A_237 = arith.addi %mul3A_235, %add3A_236 : i32
      %add3A_238 = vector.broadcast %add3A_237 : i32 to vector<16xi32>
      %add3A_239 = arith.addi %mul3A_8, %add3A_238 : vector<16xi32>
      %gather3A_240 = tpu.vector_load_idx %arg4[%add3A_239] : memref<3200xi32, #tpu.memory_space<vmem>>[vector<16xi32>], vector<16xi32>,
      %and3A_241 = arith.constant 1023 : i32
      %and3A_242 = vector.broadcast %and3A_241 : i32 to vector<16xi32>
      %and3A_243 = arith.andi %gather3A_240, %and3A_242 : vector<16xi32>
      %add3A_244 = arith.addi %mul3A_11, %and3A_243 : vector<16xi32>
      tpu.vector_store_idx %arg5[%add3A_244], %broadcast_in_dim3A_5 {add = true} : memref<16384xf32, #tpu.memory_space<vmem>>[vector<16xi32>], vector<16xf32>,
      %scan3A_245 = arith.constant 0 : i32
      scf.yield %scan3A_245 : i32
    }
    %scan3A_72 = arith.constant 50 : i32
    %mul3A_73 = arith.constant 1024 : i32
    %mul3A_74 = arith.muli %add3A_56, %mul3A_73 : i32
    %dma_start3A_75 = tpu.memref_slice %arg3[%mul3A_74] : memref<4194304xf32, #tpu.memory_space<hbm>> -> memref<16384xf32, #tpu.memory_space<hbm>>
    %dma_start3A_76 = tpu.memref_slice %arg3[%mul3A_74] : memref<4194304xf32, #tpu.memory_space<hbm>> -> memref<16384xf32, #tpu.memory_space<hbm>>
    tpu.enqueue_dma source(%arg5 : memref<16384xf32, #tpu.memory_space<vmem>>) target(%dma_start3A_76 : memref<16384xf32, #tpu.memory_space<hbm>>) target_semaphore(%arg7 : memref<!tpu.dma_semaphore, #tpu.memory_space<semaphore_mem>>)
    %dma_wait3A_77 = tpu.memref_slice %arg3[%mul3A_51] : memref<4194304xf32, #tpu.memory_space<hbm>> -> memref<16384xf32, #tpu.memory_space<hbm>>
    %dma_wait3A_78 = tpu.memref_slice %arg3[%mul3A_51] : memref<4194304xf32, #tpu.memory_space<hbm>> -> memref<16384xf32, #tpu.memory_space<hbm>>
    tpu.wait_dma2 semaphore(%arg8 : memref<!tpu.dma_semaphore, #tpu.memory_space<semaphore_mem>>) src(%arg6 : memref<16384xf32, #tpu.memory_space<vmem>>) dst(%dma_wait3A_78 : memref<16384xf32, #tpu.memory_space<hbm>>)
    %add3A_79 = arith.constant 48 : i32
    %add3A_80 = arith.addi %mul3A_2, %add3A_79 : i32
    %mul3A_81 = arith.constant 200 : i32
    %mul3A_82 = arith.muli %add3A_80, %mul3A_81 : i32
    "tpu.region"() ({
      %run_scoped3A = tpu.sem_alloc : memref<!tpu.dma_semaphore, #tpu.memory_space<semaphore_mem>>
      %dma_start3A_201 = tpu.memref_slice %arg2[%mul3A_82] : memref<819200xi32, #tpu.memory_space<hbm>> -> memref<3200xi32, #tpu.memory_space<hbm>>
      %dma_start3A_202 = tpu.memref_slice %arg2[%mul3A_82] : memref<819200xi32, #tpu.memory_space<hbm>> -> memref<3200xi32, #tpu.memory_space<hbm>>
      tpu.enqueue_dma source(%dma_start3A_202 : memref<3200xi32, #tpu.memory_space<hbm>>) target(%arg4 : memref<3200xi32, #tpu.memory_space<vmem>>) target_semaphore(%run_scoped3A : memref<!tpu.dma_semaphore, #tpu.memory_space<semaphore_mem>>)
      %dma_wait3A_203 = tpu.memref_slice %arg2[%mul3A_82] : memref<819200xi32, #tpu.memory_space<hbm>> -> memref<3200xi32, #tpu.memory_space<hbm>>
      %dma_wait3A_204 = tpu.memref_slice %arg2[%mul3A_82] : memref<819200xi32, #tpu.memory_space<hbm>> -> memref<3200xi32, #tpu.memory_space<hbm>>
      tpu.wait_dma2 semaphore(%run_scoped3A : memref<!tpu.dma_semaphore, #tpu.memory_space<semaphore_mem>>) src(%dma_wait3A_204 : memref<3200xi32, #tpu.memory_space<hbm>>) dst(%arg4 : memref<3200xi32, #tpu.memory_space<vmem>>)
      tpu.yield
    }) : () -> ()
    %scan3A_83 = arith.constant 0 : i32
    %scan3A_84 = arith.constant 0 : i32
    %scan3A_85 = arith.constant 64 : i32
    %scan3A_86 = arith.addi %scan3A_84, %scan3A_85 : i32
    %scan3A_87 = arith.constant 1 : i32
    %scan3A_88 = scf.for %scan3A_201 = %scan3A_84 to %scan3A_86 step %scan3A_87 iter_args(%scan3A_202 = %scan3A_83) -> (i32)  : i32 {
      %mul3A_203 = arith.constant 16 : i32
      %mul3A_204 = arith.muli %scan3A_201, %mul3A_203 : i32
      %add3A_205 = arith.constant 0 : i32
      %add3A_206 = arith.addi %mul3A_204, %add3A_205 : i32
      %mul3A_207 = arith.constant 16 : i32
      %mul3A_208 = arith.muli %add3A_206, %mul3A_207 : i32
      %swap3A = arith.index_cast %mul3A_208 : i32 to index
      %swap3A_209 = tpu.vector_load %arg6[%swap3A] {strides = array<i32>} : memref<16384xf32, #tpu.memory_space<vmem>>, vector<16xf32>,
      tpu.vector_store %arg6[%swap3A], %broadcast_in_dim3A_3 {strides = array<i32>} : memref<16384xf32, #tpu.memory_space<vmem>>, vector<16xf32>,
      %mul3A_210 = arith.constant 16 : i32
      %mul3A_211 = arith.muli %scan3A_201, %mul3A_210 : i32
      %add3A_212 = arith.constant 1 : i32
      %add3A_213 = arith.addi %mul3A_211, %add3A_212 : i32
      %mul3A_214 = arith.constant 16 : i32
      %mul3A_215 = arith.muli %add3A_213, %mul3A_214 : i32
      %swap3A_216 = arith.index_cast %mul3A_215 : i32 to index
      %swap3A_217 = tpu.vector_load %arg6[%swap3A_216] {strides = array<i32>} : memref<16384xf32, #tpu.memory_space<vmem>>, vector<16xf32>,
      tpu.vector_store %arg6[%swap3A_216], %broadcast_in_dim3A_3 {strides = array<i32>} : memref<16384xf32, #tpu.memory_space<vmem>>, vector<16xf32>,
      %mul3A_218 = arith.constant 16 : i32
      %mul3A_219 = arith.muli %scan3A_201, %mul3A_218 : i32
      %add3A_220 = arith.constant 2 : i32
      %add3A_221 = arith.addi %mul3A_219, %add3A_220 : i32
      %mul3A_222 = arith.constant 16 : i32
      %mul3A_223 = arith.muli %add3A_221, %mul3A_222 : i32
      %swap3A_224 = arith.index_cast %mul3A_223 : i32 to index
      %swap3A_225 = tpu.vector_load %arg6[%swap3A_224] {strides = array<i32>} : memref<16384xf32, #tpu.memory_space<vmem>>, vector<16xf32>,
      tpu.vector_store %arg6[%swap3A_224], %broadcast_in_dim3A_3 {strides = array<i32>} : memref<16384xf32, #tpu.memory_space<vmem>>, vector<16xf32>,
      %mul3A_226 = arith.constant 16 : i32
      %mul3A_227 = arith.muli %scan3A_201, %mul3A_226 : i32
      %add3A_228 = arith.constant 3 : i32
      %add3A_229 = arith.addi %mul3A_227, %add3A_228 : i32
      %mul3A_230 = arith.constant 16 : i32
      %mul3A_231 = arith.muli %add3A_229, %mul3A_230 : i32
      %swap3A_232 = arith.index_cast %mul3A_231 : i32 to index
      %swap3A_233 = tpu.vector_load %arg6[%swap3A_232] {strides = array<i32>} : memref<16384xf32, #tpu.memory_space<vmem>>, vector<16xf32>,
      tpu.vector_store %arg6[%swap3A_232], %broadcast_in_dim3A_3 {strides = array<i32>} : memref<16384xf32, #tpu.memory_space<vmem>>, vector<16xf32>,
      %mul3A_234 = arith.constant 16 : i32
      %mul3A_235 = arith.muli %scan3A_201, %mul3A_234 : i32
      %add3A_236 = arith.constant 4 : i32
      %add3A_237 = arith.addi %mul3A_235, %add3A_236 : i32
      %mul3A_238 = arith.constant 16 : i32
      %mul3A_239 = arith.muli %add3A_237, %mul3A_238 : i32
      %swap3A_240 = arith.index_cast %mul3A_239 : i32 to index
      %swap3A_241 = tpu.vector_load %arg6[%swap3A_240] {strides = array<i32>} : memref<16384xf32, #tpu.memory_space<vmem>>, vector<16xf32>,
      tpu.vector_store %arg6[%swap3A_240], %broadcast_in_dim3A_3 {strides = array<i32>} : memref<16384xf32, #tpu.memory_space<vmem>>, vector<16xf32>,
      %mul3A_242 = arith.constant 16 : i32
      %mul3A_243 = arith.muli %scan3A_201, %mul3A_242 : i32
      %add3A_244 = arith.constant 5 : i32
      %add3A_245 = arith.addi %mul3A_243, %add3A_244 : i32
      %mul3A_246 = arith.constant 16 : i32
      %mul3A_247 = arith.muli %add3A_245, %mul3A_246 : i32
      %swap3A_248 = arith.index_cast %mul3A_247 : i32 to index
      %swap3A_249 = tpu.vector_load %arg6[%swap3A_248] {strides = array<i32>} : memref<16384xf32, #tpu.memory_space<vmem>>, vector<16xf32>,
      tpu.vector_store %arg6[%swap3A_248], %broadcast_in_dim3A_3 {strides = array<i32>} : memref<16384xf32, #tpu.memory_space<vmem>>, vector<16xf32>,
      %mul3A_250 = arith.constant 16 : i32
      %mul3A_251 = arith.muli %scan3A_201, %mul3A_250 : i32
      %add3A_252 = arith.constant 6 : i32
      %add3A_253 = arith.addi %mul3A_251, %add3A_252 : i32
      %mul3A_254 = arith.constant 16 : i32
      %mul3A_255 = arith.muli %add3A_253, %mul3A_254 : i32
      %swap3A_256 = arith.index_cast %mul3A_255 : i32 to index
      %swap3A_257 = tpu.vector_load %arg6[%swap3A_256] {strides = array<i32>} : memref<16384xf32, #tpu.memory_space<vmem>>, vector<16xf32>,
      tpu.vector_store %arg6[%swap3A_256], %broadcast_in_dim3A_3 {strides = array<i32>} : memref<16384xf32, #tpu.memory_space<vmem>>, vector<16xf32>,
      %mul3A_258 = arith.constant 16 : i32
      %mul3A_259 = arith.muli %scan3A_201, %mul3A_258 : i32
      %add3A_260 = arith.constant 7 : i32
      %add3A_261 = arith.addi %mul3A_259, %add3A_260 : i32
      %mul3A_262 = arith.constant 16 : i32
      %mul3A_263 = arith.muli %add3A_261, %mul3A_262 : i32
      %swap3A_264 = arith.index_cast %mul3A_263 : i32 to index
      %swap3A_265 = tpu.vector_load %arg6[%swap3A_264] {strides = array<i32>} : memref<16384xf32, #tpu.memory_space<vmem>>, vector<16xf32>,
      tpu.vector_store %arg6[%swap3A_264], %broadcast_in_dim3A_3 {strides = array<i32>} : memref<16384xf32, #tpu.memory_space<vmem>>, vector<16xf32>,
      %mul3A_266 = arith.constant 16 : i32
      %mul3A_267 = arith.muli %scan3A_201, %mul3A_266 : i32
      %add3A_268 = arith.constant 8 : i32
      %add3A_269 = arith.addi %mul3A_267, %add3A_268 : i32
      %mul3A_270 = arith.constant 16 : i32
      %mul3A_271 = arith.muli %add3A_269, %mul3A_270 : i32
      %swap3A_272 = arith.index_cast %mul3A_271 : i32 to index
      %swap3A_273 = tpu.vector_load %arg6[%swap3A_272] {strides = array<i32>} : memref<16384xf32, #tpu.memory_space<vmem>>, vector<16xf32>,
      tpu.vector_store %arg6[%swap3A_272], %broadcast_in_dim3A_3 {strides = array<i32>} : memref<16384xf32, #tpu.memory_space<vmem>>, vector<16xf32>,
      %mul3A_274 = arith.constant 16 : i32
      %mul3A_275 = arith.muli %scan3A_201, %mul3A_274 : i32
      %add3A_276 = arith.constant 9 : i32
      %add3A_277 = arith.addi %mul3A_275, %add3A_276 : i32
      %mul3A_278 = arith.constant 16 : i32
      %mul3A_279 = arith.muli %add3A_277, %mul3A_278 : i32
      %swap3A_280 = arith.index_cast %mul3A_279 : i32 to index
      %swap3A_281 = tpu.vector_load %arg6[%swap3A_280] {strides = array<i32>} : memref<16384xf32, #tpu.memory_space<vmem>>, vector<16xf32>,
      tpu.vector_store %arg6[%swap3A_280], %broadcast_in_dim3A_3 {strides = array<i32>} : memref<16384xf32, #tpu.memory_space<vmem>>, vector<16xf32>,
      %mul3A_282 = arith.constant 16 : i32
      %mul3A_283 = arith.muli %scan3A_201, %mul3A_282 : i32
      %add3A_284 = arith.constant 10 : i32
      %add3A_285 = arith.addi %mul3A_283, %add3A_284 : i32
      %mul3A_286 = arith.constant 16 : i32
      %mul3A_287 = arith.muli %add3A_285, %mul3A_286 : i32
      %swap3A_288 = arith.index_cast %mul3A_287 : i32 to index
      %swap3A_289 = tpu.vector_load %arg6[%swap3A_288] {strides = array<i32>} : memref<16384xf32, #tpu.memory_space<vmem>>, vector<16xf32>,
      tpu.vector_store %arg6[%swap3A_288], %broadcast_in_dim3A_3 {strides = array<i32>} : memref<16384xf32, #tpu.memory_space<vmem>>, vector<16xf32>,
      %mul3A_290 = arith.constant 16 : i32
      %mul3A_291 = arith.muli %scan3A_201, %mul3A_290 : i32
      %add3A_292 = arith.constant 11 : i32
      %add3A_293 = arith.addi %mul3A_291, %add3A_292 : i32
      %mul3A_294 = arith.constant 16 : i32
      %mul3A_295 = arith.muli %add3A_293, %mul3A_294 : i32
      %swap3A_296 = arith.index_cast %mul3A_295 : i32 to index
      %swap3A_297 = tpu.vector_load %arg6[%swap3A_296] {strides = array<i32>} : memref<16384xf32, #tpu.memory_space<vmem>>, vector<16xf32>,
      tpu.vector_store %arg6[%swap3A_296], %broadcast_in_dim3A_3 {strides = array<i32>} : memref<16384xf32, #tpu.memory_space<vmem>>, vector<16xf32>,
      %mul3A_298 = arith.constant 16 : i32
      %mul3A_299 = arith.muli %scan3A_201, %mul3A_298 : i32
      %add3A_300 = arith.constant 12 : i32
      %add3A_301 = arith.addi %mul3A_299, %add3A_300 : i32
      %mul3A_302 = arith.constant 16 : i32
      %mul3A_303 = arith.muli %add3A_301, %mul3A_302 : i32
      %swap3A_304 = arith.index_cast %mul3A_303 : i32 to index
      %swap3A_305 = tpu.vector_load %arg6[%swap3A_304] {strides = array<i32>} : memref<16384xf32, #tpu.memory_space<vmem>>, vector<16xf32>,
      tpu.vector_store %arg6[%swap3A_304], %broadcast_in_dim3A_3 {strides = array<i32>} : memref<16384xf32, #tpu.memory_space<vmem>>, vector<16xf32>,
      %mul3A_306 = arith.constant 16 : i32
      %mul3A_307 = arith.muli %scan3A_201, %mul3A_306 : i32
      %add3A_308 = arith.constant 13 : i32
      %add3A_309 = arith.addi %mul3A_307, %add3A_308 : i32
      %mul3A_310 = arith.constant 16 : i32
      %mul3A_311 = arith.muli %add3A_309, %mul3A_310 : i32
      %swap3A_312 = arith.index_cast %mul3A_311 : i32 to index
      %swap3A_313 = tpu.vector_load %arg6[%swap3A_312] {strides = array<i32>} : memref<16384xf32, #tpu.memory_space<vmem>>, vector<16xf32>,
      tpu.vector_store %arg6[%swap3A_312], %broadcast_in_dim3A_3 {strides = array<i32>} : memref<16384xf32, #tpu.memory_space<vmem>>, vector<16xf32>,
      %mul3A_314 = arith.constant 16 : i32
      %mul3A_315 = arith.muli %scan3A_201, %mul3A_314 : i32
      %add3A_316 = arith.constant 14 : i32
      %add3A_317 = arith.addi %mul3A_315, %add3A_316 : i32
      %mul3A_318 = arith.constant 16 : i32
      %mul3A_319 = arith.muli %add3A_317, %mul3A_318 : i32
      %swap3A_320 = arith.index_cast %mul3A_319 : i32 to index
      %swap3A_321 = tpu.vector_load %arg6[%swap3A_320] {strides = array<i32>} : memref<16384xf32, #tpu.memory_space<vmem>>, vector<16xf32>,
      tpu.vector_store %arg6[%swap3A_320], %broadcast_in_dim3A_3 {strides = array<i32>} : memref<16384xf32, #tpu.memory_space<vmem>>, vector<16xf32>,
      %mul3A_322 = arith.constant 16 : i32
      %mul3A_323 = arith.muli %scan3A_201, %mul3A_322 : i32
      %add3A_324 = arith.constant 15 : i32
      %add3A_325 = arith.addi %mul3A_323, %add3A_324 : i32
      %mul3A_326 = arith.constant 16 : i32
      %mul3A_327 = arith.muli %add3A_325, %mul3A_326 : i32
      %swap3A_328 = arith.index_cast %mul3A_327 : i32 to index
      %swap3A_329 = tpu.vector_load %arg6[%swap3A_328] {strides = array<i32>} : memref<16384xf32, #tpu.memory_space<vmem>>, vector<16xf32>,
      tpu.vector_store %arg6[%swap3A_328], %broadcast_in_dim3A_3 {strides = array<i32>} : memref<16384xf32, #tpu.memory_space<vmem>>, vector<16xf32>,
      %scan3A_330 = arith.constant 0 : i32
      scf.yield %scan3A_330 : i32
    }
    %scan3A_89 = arith.constant 64 : i32
    %scan3A_90 = arith.constant 0 : i32
    %scan3A_91 = arith.constant 0 : i32
    %scan3A_92 = arith.constant 50 : i32
    %scan3A_93 = arith.addi %scan3A_91, %scan3A_92 : i32
    %scan3A_94 = arith.constant 1 : i32
    %scan3A_95 = scf.for %scan3A_201 = %scan3A_91 to %scan3A_93 step %scan3A_94 iter_args(%scan3A_202 = %scan3A_90) -> (i32)  : i32 {
      %mul3A_203 = arith.constant 4 : i32
      %mul3A_204 = arith.muli %scan3A_201, %mul3A_203 : i32
      %add3A_205 = arith.constant 0 : i32
      %add3A_206 = arith.addi %mul3A_204, %add3A_205 : i32
      %add3A_207 = vector.broadcast %add3A_206 : i32 to vector<16xi32>
      %add3A_208 = arith.addi %mul3A_8, %add3A_207 : vector<16xi32>
      %gather3A = tpu.vector_load_idx %arg4[%add3A_208] : memref<3200xi32, #tpu.memory_space<vmem>>[vector<16xi32>], vector<16xi32>,
      %and3A = arith.constant 1023 : i32
      %and3A_209 = vector.broadcast %and3A : i32 to vector<16xi32>
      %and3A_210 = arith.andi %gather3A, %and3A_209 : vector<16xi32>
      %add3A_211 = arith.addi %mul3A_11, %and3A_210 : vector<16xi32>
      tpu.vector_store_idx %arg6[%add3A_211], %broadcast_in_dim3A_5 {add = true} : memref<16384xf32, #tpu.memory_space<vmem>>[vector<16xi32>], vector<16xf32>,
      %mul3A_212 = arith.constant 4 : i32
      %mul3A_213 = arith.muli %scan3A_201, %mul3A_212 : i32
      %add3A_214 = arith.constant 1 : i32
      %add3A_215 = arith.addi %mul3A_213, %add3A_214 : i32
      %add3A_216 = vector.broadcast %add3A_215 : i32 to vector<16xi32>
      %add3A_217 = arith.addi %mul3A_8, %add3A_216 : vector<16xi32>
      %gather3A_218 = tpu.vector_load_idx %arg4[%add3A_217] : memref<3200xi32, #tpu.memory_space<vmem>>[vector<16xi32>], vector<16xi32>,
      %and3A_219 = arith.constant 1023 : i32
      %and3A_220 = vector.broadcast %and3A_219 : i32 to vector<16xi32>
      %and3A_221 = arith.andi %gather3A_218, %and3A_220 : vector<16xi32>
      %add3A_222 = arith.addi %mul3A_11, %and3A_221 : vector<16xi32>
      tpu.vector_store_idx %arg6[%add3A_222], %broadcast_in_dim3A_5 {add = true} : memref<16384xf32, #tpu.memory_space<vmem>>[vector<16xi32>], vector<16xf32>,
      %mul3A_223 = arith.constant 4 : i32
      %mul3A_224 = arith.muli %scan3A_201, %mul3A_223 : i32
      %add3A_225 = arith.constant 2 : i32
      %add3A_226 = arith.addi %mul3A_224, %add3A_225 : i32
      %add3A_227 = vector.broadcast %add3A_226 : i32 to vector<16xi32>
      %add3A_228 = arith.addi %mul3A_8, %add3A_227 : vector<16xi32>
      %gather3A_229 = tpu.vector_load_idx %arg4[%add3A_228] : memref<3200xi32, #tpu.memory_space<vmem>>[vector<16xi32>], vector<16xi32>,
      %and3A_230 = arith.constant 1023 : i32
      %and3A_231 = vector.broadcast %and3A_230 : i32 to vector<16xi32>
      %and3A_232 = arith.andi %gather3A_229, %and3A_231 : vector<16xi32>
      %add3A_233 = arith.addi %mul3A_11, %and3A_232 : vector<16xi32>
      tpu.vector_store_idx %arg6[%add3A_233], %broadcast_in_dim3A_5 {add = true} : memref<16384xf32, #tpu.memory_space<vmem>>[vector<16xi32>], vector<16xf32>,
      %mul3A_234 = arith.constant 4 : i32
      %mul3A_235 = arith.muli %scan3A_201, %mul3A_234 : i32
      %add3A_236 = arith.constant 3 : i32
      %add3A_237 = arith.addi %mul3A_235, %add3A_236 : i32
      %add3A_238 = vector.broadcast %add3A_237 : i32 to vector<16xi32>
      %add3A_239 = arith.addi %mul3A_8, %add3A_238 : vector<16xi32>
      %gather3A_240 = tpu.vector_load_idx %arg4[%add3A_239] : memref<3200xi32, #tpu.memory_space<vmem>>[vector<16xi32>], vector<16xi32>,
      %and3A_241 = arith.constant 1023 : i32
      %and3A_242 = vector.broadcast %and3A_241 : i32 to vector<16xi32>
      %and3A_243 = arith.andi %gather3A_240, %and3A_242 : vector<16xi32>
      %add3A_244 = arith.addi %mul3A_11, %and3A_243 : vector<16xi32>
      tpu.vector_store_idx %arg6[%add3A_244], %broadcast_in_dim3A_5 {add = true} : memref<16384xf32, #tpu.memory_space<vmem>>[vector<16xi32>], vector<16xf32>,
      %scan3A_245 = arith.constant 0 : i32
      scf.yield %scan3A_245 : i32
    }
    %scan3A_96 = arith.constant 50 : i32
    %mul3A_97 = arith.constant 1024 : i32
    %mul3A_98 = arith.muli %add3A_80, %mul3A_97 : i32
    %dma_start3A_99 = tpu.memref_slice %arg3[%mul3A_98] : memref<4194304xf32, #tpu.memory_space<hbm>> -> memref<16384xf32, #tpu.memory_space<hbm>>
    %dma_start3A_100 = tpu.memref_slice %arg3[%mul3A_98] : memref<4194304xf32, #tpu.memory_space<hbm>> -> memref<16384xf32, #tpu.memory_space<hbm>>
    tpu.enqueue_dma source(%arg6 : memref<16384xf32, #tpu.memory_space<vmem>>) target(%dma_start3A_100 : memref<16384xf32, #tpu.memory_space<hbm>>) target_semaphore(%arg8 : memref<!tpu.dma_semaphore, #tpu.memory_space<semaphore_mem>>)
    %dma_wait3A_101 = tpu.memref_slice %arg3[%mul3A_74] : memref<4194304xf32, #tpu.memory_space<hbm>> -> memref<16384xf32, #tpu.memory_space<hbm>>
    %dma_wait3A_102 = tpu.memref_slice %arg3[%mul3A_74] : memref<4194304xf32, #tpu.memory_space<hbm>> -> memref<16384xf32, #tpu.memory_space<hbm>>
    tpu.wait_dma2 semaphore(%arg7 : memref<!tpu.dma_semaphore, #tpu.memory_space<semaphore_mem>>) src(%arg5 : memref<16384xf32, #tpu.memory_space<vmem>>) dst(%dma_wait3A_102 : memref<16384xf32, #tpu.memory_space<hbm>>)
    %add3A_103 = arith.constant 64 : i32
    %add3A_104 = arith.addi %mul3A_2, %add3A_103 : i32
    %mul3A_105 = arith.constant 200 : i32
    %mul3A_106 = arith.muli %add3A_104, %mul3A_105 : i32
    "tpu.region"() ({
      %run_scoped3A = tpu.sem_alloc : memref<!tpu.dma_semaphore, #tpu.memory_space<semaphore_mem>>
      %dma_start3A_201 = tpu.memref_slice %arg2[%mul3A_106] : memref<819200xi32, #tpu.memory_space<hbm>> -> memref<3200xi32, #tpu.memory_space<hbm>>
      %dma_start3A_202 = tpu.memref_slice %arg2[%mul3A_106] : memref<819200xi32, #tpu.memory_space<hbm>> -> memref<3200xi32, #tpu.memory_space<hbm>>
      tpu.enqueue_dma source(%dma_start3A_202 : memref<3200xi32, #tpu.memory_space<hbm>>) target(%arg4 : memref<3200xi32, #tpu.memory_space<vmem>>) target_semaphore(%run_scoped3A : memref<!tpu.dma_semaphore, #tpu.memory_space<semaphore_mem>>)
      %dma_wait3A_203 = tpu.memref_slice %arg2[%mul3A_106] : memref<819200xi32, #tpu.memory_space<hbm>> -> memref<3200xi32, #tpu.memory_space<hbm>>
      %dma_wait3A_204 = tpu.memref_slice %arg2[%mul3A_106] : memref<819200xi32, #tpu.memory_space<hbm>> -> memref<3200xi32, #tpu.memory_space<hbm>>
      tpu.wait_dma2 semaphore(%run_scoped3A : memref<!tpu.dma_semaphore, #tpu.memory_space<semaphore_mem>>) src(%dma_wait3A_204 : memref<3200xi32, #tpu.memory_space<hbm>>) dst(%arg4 : memref<3200xi32, #tpu.memory_space<vmem>>)
      tpu.yield
    }) : () -> ()
    %scan3A_107 = arith.constant 0 : i32
    %scan3A_108 = arith.constant 0 : i32
    %scan3A_109 = arith.constant 64 : i32
    %scan3A_110 = arith.addi %scan3A_108, %scan3A_109 : i32
    %scan3A_111 = arith.constant 1 : i32
    %scan3A_112 = scf.for %scan3A_201 = %scan3A_108 to %scan3A_110 step %scan3A_111 iter_args(%scan3A_202 = %scan3A_107) -> (i32)  : i32 {
      %mul3A_203 = arith.constant 16 : i32
      %mul3A_204 = arith.muli %scan3A_201, %mul3A_203 : i32
      %add3A_205 = arith.constant 0 : i32
      %add3A_206 = arith.addi %mul3A_204, %add3A_205 : i32
      %mul3A_207 = arith.constant 16 : i32
      %mul3A_208 = arith.muli %add3A_206, %mul3A_207 : i32
      %swap3A = arith.index_cast %mul3A_208 : i32 to index
      %swap3A_209 = tpu.vector_load %arg5[%swap3A] {strides = array<i32>} : memref<16384xf32, #tpu.memory_space<vmem>>, vector<16xf32>,
      tpu.vector_store %arg5[%swap3A], %broadcast_in_dim3A_3 {strides = array<i32>} : memref<16384xf32, #tpu.memory_space<vmem>>, vector<16xf32>,
      %mul3A_210 = arith.constant 16 : i32
      %mul3A_211 = arith.muli %scan3A_201, %mul3A_210 : i32
      %add3A_212 = arith.constant 1 : i32
      %add3A_213 = arith.addi %mul3A_211, %add3A_212 : i32
      %mul3A_214 = arith.constant 16 : i32
      %mul3A_215 = arith.muli %add3A_213, %mul3A_214 : i32
      %swap3A_216 = arith.index_cast %mul3A_215 : i32 to index
      %swap3A_217 = tpu.vector_load %arg5[%swap3A_216] {strides = array<i32>} : memref<16384xf32, #tpu.memory_space<vmem>>, vector<16xf32>,
      tpu.vector_store %arg5[%swap3A_216], %broadcast_in_dim3A_3 {strides = array<i32>} : memref<16384xf32, #tpu.memory_space<vmem>>, vector<16xf32>,
      %mul3A_218 = arith.constant 16 : i32
      %mul3A_219 = arith.muli %scan3A_201, %mul3A_218 : i32
      %add3A_220 = arith.constant 2 : i32
      %add3A_221 = arith.addi %mul3A_219, %add3A_220 : i32
      %mul3A_222 = arith.constant 16 : i32
      %mul3A_223 = arith.muli %add3A_221, %mul3A_222 : i32
      %swap3A_224 = arith.index_cast %mul3A_223 : i32 to index
      %swap3A_225 = tpu.vector_load %arg5[%swap3A_224] {strides = array<i32>} : memref<16384xf32, #tpu.memory_space<vmem>>, vector<16xf32>,
      tpu.vector_store %arg5[%swap3A_224], %broadcast_in_dim3A_3 {strides = array<i32>} : memref<16384xf32, #tpu.memory_space<vmem>>, vector<16xf32>,
      %mul3A_226 = arith.constant 16 : i32
      %mul3A_227 = arith.muli %scan3A_201, %mul3A_226 : i32
      %add3A_228 = arith.constant 3 : i32
      %add3A_229 = arith.addi %mul3A_227, %add3A_228 : i32
      %mul3A_230 = arith.constant 16 : i32
      %mul3A_231 = arith.muli %add3A_229, %mul3A_230 : i32
      %swap3A_232 = arith.index_cast %mul3A_231 : i32 to index
      %swap3A_233 = tpu.vector_load %arg5[%swap3A_232] {strides = array<i32>} : memref<16384xf32, #tpu.memory_space<vmem>>, vector<16xf32>,
      tpu.vector_store %arg5[%swap3A_232], %broadcast_in_dim3A_3 {strides = array<i32>} : memref<16384xf32, #tpu.memory_space<vmem>>, vector<16xf32>,
      %mul3A_234 = arith.constant 16 : i32
      %mul3A_235 = arith.muli %scan3A_201, %mul3A_234 : i32
      %add3A_236 = arith.constant 4 : i32
      %add3A_237 = arith.addi %mul3A_235, %add3A_236 : i32
      %mul3A_238 = arith.constant 16 : i32
      %mul3A_239 = arith.muli %add3A_237, %mul3A_238 : i32
      %swap3A_240 = arith.index_cast %mul3A_239 : i32 to index
      %swap3A_241 = tpu.vector_load %arg5[%swap3A_240] {strides = array<i32>} : memref<16384xf32, #tpu.memory_space<vmem>>, vector<16xf32>,
      tpu.vector_store %arg5[%swap3A_240], %broadcast_in_dim3A_3 {strides = array<i32>} : memref<16384xf32, #tpu.memory_space<vmem>>, vector<16xf32>,
      %mul3A_242 = arith.constant 16 : i32
      %mul3A_243 = arith.muli %scan3A_201, %mul3A_242 : i32
      %add3A_244 = arith.constant 5 : i32
      %add3A_245 = arith.addi %mul3A_243, %add3A_244 : i32
      %mul3A_246 = arith.constant 16 : i32
      %mul3A_247 = arith.muli %add3A_245, %mul3A_246 : i32
      %swap3A_248 = arith.index_cast %mul3A_247 : i32 to index
      %swap3A_249 = tpu.vector_load %arg5[%swap3A_248] {strides = array<i32>} : memref<16384xf32, #tpu.memory_space<vmem>>, vector<16xf32>,
      tpu.vector_store %arg5[%swap3A_248], %broadcast_in_dim3A_3 {strides = array<i32>} : memref<16384xf32, #tpu.memory_space<vmem>>, vector<16xf32>,
      %mul3A_250 = arith.constant 16 : i32
      %mul3A_251 = arith.muli %scan3A_201, %mul3A_250 : i32
      %add3A_252 = arith.constant 6 : i32
      %add3A_253 = arith.addi %mul3A_251, %add3A_252 : i32
      %mul3A_254 = arith.constant 16 : i32
      %mul3A_255 = arith.muli %add3A_253, %mul3A_254 : i32
      %swap3A_256 = arith.index_cast %mul3A_255 : i32 to index
      %swap3A_257 = tpu.vector_load %arg5[%swap3A_256] {strides = array<i32>} : memref<16384xf32, #tpu.memory_space<vmem>>, vector<16xf32>,
      tpu.vector_store %arg5[%swap3A_256], %broadcast_in_dim3A_3 {strides = array<i32>} : memref<16384xf32, #tpu.memory_space<vmem>>, vector<16xf32>,
      %mul3A_258 = arith.constant 16 : i32
      %mul3A_259 = arith.muli %scan3A_201, %mul3A_258 : i32
      %add3A_260 = arith.constant 7 : i32
      %add3A_261 = arith.addi %mul3A_259, %add3A_260 : i32
      %mul3A_262 = arith.constant 16 : i32
      %mul3A_263 = arith.muli %add3A_261, %mul3A_262 : i32
      %swap3A_264 = arith.index_cast %mul3A_263 : i32 to index
      %swap3A_265 = tpu.vector_load %arg5[%swap3A_264] {strides = array<i32>} : memref<16384xf32, #tpu.memory_space<vmem>>, vector<16xf32>,
      tpu.vector_store %arg5[%swap3A_264], %broadcast_in_dim3A_3 {strides = array<i32>} : memref<16384xf32, #tpu.memory_space<vmem>>, vector<16xf32>,
      %mul3A_266 = arith.constant 16 : i32
      %mul3A_267 = arith.muli %scan3A_201, %mul3A_266 : i32
      %add3A_268 = arith.constant 8 : i32
      %add3A_269 = arith.addi %mul3A_267, %add3A_268 : i32
      %mul3A_270 = arith.constant 16 : i32
      %mul3A_271 = arith.muli %add3A_269, %mul3A_270 : i32
      %swap3A_272 = arith.index_cast %mul3A_271 : i32 to index
      %swap3A_273 = tpu.vector_load %arg5[%swap3A_272] {strides = array<i32>} : memref<16384xf32, #tpu.memory_space<vmem>>, vector<16xf32>,
      tpu.vector_store %arg5[%swap3A_272], %broadcast_in_dim3A_3 {strides = array<i32>} : memref<16384xf32, #tpu.memory_space<vmem>>, vector<16xf32>,
      %mul3A_274 = arith.constant 16 : i32
      %mul3A_275 = arith.muli %scan3A_201, %mul3A_274 : i32
      %add3A_276 = arith.constant 9 : i32
      %add3A_277 = arith.addi %mul3A_275, %add3A_276 : i32
      %mul3A_278 = arith.constant 16 : i32
      %mul3A_279 = arith.muli %add3A_277, %mul3A_278 : i32
      %swap3A_280 = arith.index_cast %mul3A_279 : i32 to index
      %swap3A_281 = tpu.vector_load %arg5[%swap3A_280] {strides = array<i32>} : memref<16384xf32, #tpu.memory_space<vmem>>, vector<16xf32>,
      tpu.vector_store %arg5[%swap3A_280], %broadcast_in_dim3A_3 {strides = array<i32>} : memref<16384xf32, #tpu.memory_space<vmem>>, vector<16xf32>,
      %mul3A_282 = arith.constant 16 : i32
      %mul3A_283 = arith.muli %scan3A_201, %mul3A_282 : i32
      %add3A_284 = arith.constant 10 : i32
      %add3A_285 = arith.addi %mul3A_283, %add3A_284 : i32
      %mul3A_286 = arith.constant 16 : i32
      %mul3A_287 = arith.muli %add3A_285, %mul3A_286 : i32
      %swap3A_288 = arith.index_cast %mul3A_287 : i32 to index
      %swap3A_289 = tpu.vector_load %arg5[%swap3A_288] {strides = array<i32>} : memref<16384xf32, #tpu.memory_space<vmem>>, vector<16xf32>,
      tpu.vector_store %arg5[%swap3A_288], %broadcast_in_dim3A_3 {strides = array<i32>} : memref<16384xf32, #tpu.memory_space<vmem>>, vector<16xf32>,
      %mul3A_290 = arith.constant 16 : i32
      %mul3A_291 = arith.muli %scan3A_201, %mul3A_290 : i32
      %add3A_292 = arith.constant 11 : i32
      %add3A_293 = arith.addi %mul3A_291, %add3A_292 : i32
      %mul3A_294 = arith.constant 16 : i32
      %mul3A_295 = arith.muli %add3A_293, %mul3A_294 : i32
      %swap3A_296 = arith.index_cast %mul3A_295 : i32 to index
      %swap3A_297 = tpu.vector_load %arg5[%swap3A_296] {strides = array<i32>} : memref<16384xf32, #tpu.memory_space<vmem>>, vector<16xf32>,
      tpu.vector_store %arg5[%swap3A_296], %broadcast_in_dim3A_3 {strides = array<i32>} : memref<16384xf32, #tpu.memory_space<vmem>>, vector<16xf32>,
      %mul3A_298 = arith.constant 16 : i32
      %mul3A_299 = arith.muli %scan3A_201, %mul3A_298 : i32
      %add3A_300 = arith.constant 12 : i32
      %add3A_301 = arith.addi %mul3A_299, %add3A_300 : i32
      %mul3A_302 = arith.constant 16 : i32
      %mul3A_303 = arith.muli %add3A_301, %mul3A_302 : i32
      %swap3A_304 = arith.index_cast %mul3A_303 : i32 to index
      %swap3A_305 = tpu.vector_load %arg5[%swap3A_304] {strides = array<i32>} : memref<16384xf32, #tpu.memory_space<vmem>>, vector<16xf32>,
      tpu.vector_store %arg5[%swap3A_304], %broadcast_in_dim3A_3 {strides = array<i32>} : memref<16384xf32, #tpu.memory_space<vmem>>, vector<16xf32>,
      %mul3A_306 = arith.constant 16 : i32
      %mul3A_307 = arith.muli %scan3A_201, %mul3A_306 : i32
      %add3A_308 = arith.constant 13 : i32
      %add3A_309 = arith.addi %mul3A_307, %add3A_308 : i32
      %mul3A_310 = arith.constant 16 : i32
      %mul3A_311 = arith.muli %add3A_309, %mul3A_310 : i32
      %swap3A_312 = arith.index_cast %mul3A_311 : i32 to index
      %swap3A_313 = tpu.vector_load %arg5[%swap3A_312] {strides = array<i32>} : memref<16384xf32, #tpu.memory_space<vmem>>, vector<16xf32>,
      tpu.vector_store %arg5[%swap3A_312], %broadcast_in_dim3A_3 {strides = array<i32>} : memref<16384xf32, #tpu.memory_space<vmem>>, vector<16xf32>,
      %mul3A_314 = arith.constant 16 : i32
      %mul3A_315 = arith.muli %scan3A_201, %mul3A_314 : i32
      %add3A_316 = arith.constant 14 : i32
      %add3A_317 = arith.addi %mul3A_315, %add3A_316 : i32
      %mul3A_318 = arith.constant 16 : i32
      %mul3A_319 = arith.muli %add3A_317, %mul3A_318 : i32
      %swap3A_320 = arith.index_cast %mul3A_319 : i32 to index
      %swap3A_321 = tpu.vector_load %arg5[%swap3A_320] {strides = array<i32>} : memref<16384xf32, #tpu.memory_space<vmem>>, vector<16xf32>,
      tpu.vector_store %arg5[%swap3A_320], %broadcast_in_dim3A_3 {strides = array<i32>} : memref<16384xf32, #tpu.memory_space<vmem>>, vector<16xf32>,
      %mul3A_322 = arith.constant 16 : i32
      %mul3A_323 = arith.muli %scan3A_201, %mul3A_322 : i32
      %add3A_324 = arith.constant 15 : i32
      %add3A_325 = arith.addi %mul3A_323, %add3A_324 : i32
      %mul3A_326 = arith.constant 16 : i32
      %mul3A_327 = arith.muli %add3A_325, %mul3A_326 : i32
      %swap3A_328 = arith.index_cast %mul3A_327 : i32 to index
      %swap3A_329 = tpu.vector_load %arg5[%swap3A_328] {strides = array<i32>} : memref<16384xf32, #tpu.memory_space<vmem>>, vector<16xf32>,
      tpu.vector_store %arg5[%swap3A_328], %broadcast_in_dim3A_3 {strides = array<i32>} : memref<16384xf32, #tpu.memory_space<vmem>>, vector<16xf32>,
      %scan3A_330 = arith.constant 0 : i32
      scf.yield %scan3A_330 : i32
    }
    %scan3A_113 = arith.constant 64 : i32
    %scan3A_114 = arith.constant 0 : i32
    %scan3A_115 = arith.constant 0 : i32
    %scan3A_116 = arith.constant 50 : i32
    %scan3A_117 = arith.addi %scan3A_115, %scan3A_116 : i32
    %scan3A_118 = arith.constant 1 : i32
    %scan3A_119 = scf.for %scan3A_201 = %scan3A_115 to %scan3A_117 step %scan3A_118 iter_args(%scan3A_202 = %scan3A_114) -> (i32)  : i32 {
      %mul3A_203 = arith.constant 4 : i32
      %mul3A_204 = arith.muli %scan3A_201, %mul3A_203 : i32
      %add3A_205 = arith.constant 0 : i32
      %add3A_206 = arith.addi %mul3A_204, %add3A_205 : i32
      %add3A_207 = vector.broadcast %add3A_206 : i32 to vector<16xi32>
      %add3A_208 = arith.addi %mul3A_8, %add3A_207 : vector<16xi32>
      %gather3A = tpu.vector_load_idx %arg4[%add3A_208] : memref<3200xi32, #tpu.memory_space<vmem>>[vector<16xi32>], vector<16xi32>,
      %and3A = arith.constant 1023 : i32
      %and3A_209 = vector.broadcast %and3A : i32 to vector<16xi32>
      %and3A_210 = arith.andi %gather3A, %and3A_209 : vector<16xi32>
      %add3A_211 = arith.addi %mul3A_11, %and3A_210 : vector<16xi32>
      tpu.vector_store_idx %arg5[%add3A_211], %broadcast_in_dim3A_5 {add = true} : memref<16384xf32, #tpu.memory_space<vmem>>[vector<16xi32>], vector<16xf32>,
      %mul3A_212 = arith.constant 4 : i32
      %mul3A_213 = arith.muli %scan3A_201, %mul3A_212 : i32
      %add3A_214 = arith.constant 1 : i32
      %add3A_215 = arith.addi %mul3A_213, %add3A_214 : i32
      %add3A_216 = vector.broadcast %add3A_215 : i32 to vector<16xi32>
      %add3A_217 = arith.addi %mul3A_8, %add3A_216 : vector<16xi32>
      %gather3A_218 = tpu.vector_load_idx %arg4[%add3A_217] : memref<3200xi32, #tpu.memory_space<vmem>>[vector<16xi32>], vector<16xi32>,
      %and3A_219 = arith.constant 1023 : i32
      %and3A_220 = vector.broadcast %and3A_219 : i32 to vector<16xi32>
      %and3A_221 = arith.andi %gather3A_218, %and3A_220 : vector<16xi32>
      %add3A_222 = arith.addi %mul3A_11, %and3A_221 : vector<16xi32>
      tpu.vector_store_idx %arg5[%add3A_222], %broadcast_in_dim3A_5 {add = true} : memref<16384xf32, #tpu.memory_space<vmem>>[vector<16xi32>], vector<16xf32>,
      %mul3A_223 = arith.constant 4 : i32
      %mul3A_224 = arith.muli %scan3A_201, %mul3A_223 : i32
      %add3A_225 = arith.constant 2 : i32
      %add3A_226 = arith.addi %mul3A_224, %add3A_225 : i32
      %add3A_227 = vector.broadcast %add3A_226 : i32 to vector<16xi32>
      %add3A_228 = arith.addi %mul3A_8, %add3A_227 : vector<16xi32>
      %gather3A_229 = tpu.vector_load_idx %arg4[%add3A_228] : memref<3200xi32, #tpu.memory_space<vmem>>[vector<16xi32>], vector<16xi32>,
      %and3A_230 = arith.constant 1023 : i32
      %and3A_231 = vector.broadcast %and3A_230 : i32 to vector<16xi32>
      %and3A_232 = arith.andi %gather3A_229, %and3A_231 : vector<16xi32>
      %add3A_233 = arith.addi %mul3A_11, %and3A_232 : vector<16xi32>
      tpu.vector_store_idx %arg5[%add3A_233], %broadcast_in_dim3A_5 {add = true} : memref<16384xf32, #tpu.memory_space<vmem>>[vector<16xi32>], vector<16xf32>,
      %mul3A_234 = arith.constant 4 : i32
      %mul3A_235 = arith.muli %scan3A_201, %mul3A_234 : i32
      %add3A_236 = arith.constant 3 : i32
      %add3A_237 = arith.addi %mul3A_235, %add3A_236 : i32
      %add3A_238 = vector.broadcast %add3A_237 : i32 to vector<16xi32>
      %add3A_239 = arith.addi %mul3A_8, %add3A_238 : vector<16xi32>
      %gather3A_240 = tpu.vector_load_idx %arg4[%add3A_239] : memref<3200xi32, #tpu.memory_space<vmem>>[vector<16xi32>], vector<16xi32>,
      %and3A_241 = arith.constant 1023 : i32
      %and3A_242 = vector.broadcast %and3A_241 : i32 to vector<16xi32>
      %and3A_243 = arith.andi %gather3A_240, %and3A_242 : vector<16xi32>
      %add3A_244 = arith.addi %mul3A_11, %and3A_243 : vector<16xi32>
      tpu.vector_store_idx %arg5[%add3A_244], %broadcast_in_dim3A_5 {add = true} : memref<16384xf32, #tpu.memory_space<vmem>>[vector<16xi32>], vector<16xf32>,
      %scan3A_245 = arith.constant 0 : i32
      scf.yield %scan3A_245 : i32
    }
    %scan3A_120 = arith.constant 50 : i32
    %mul3A_121 = arith.constant 1024 : i32
    %mul3A_122 = arith.muli %add3A_104, %mul3A_121 : i32
    %dma_start3A_123 = tpu.memref_slice %arg3[%mul3A_122] : memref<4194304xf32, #tpu.memory_space<hbm>> -> memref<16384xf32, #tpu.memory_space<hbm>>
    %dma_start3A_124 = tpu.memref_slice %arg3[%mul3A_122] : memref<4194304xf32, #tpu.memory_space<hbm>> -> memref<16384xf32, #tpu.memory_space<hbm>>
    tpu.enqueue_dma source(%arg5 : memref<16384xf32, #tpu.memory_space<vmem>>) target(%dma_start3A_124 : memref<16384xf32, #tpu.memory_space<hbm>>) target_semaphore(%arg7 : memref<!tpu.dma_semaphore, #tpu.memory_space<semaphore_mem>>)
    %dma_wait3A_125 = tpu.memref_slice %arg3[%mul3A_98] : memref<4194304xf32, #tpu.memory_space<hbm>> -> memref<16384xf32, #tpu.memory_space<hbm>>
    %dma_wait3A_126 = tpu.memref_slice %arg3[%mul3A_98] : memref<4194304xf32, #tpu.memory_space<hbm>> -> memref<16384xf32, #tpu.memory_space<hbm>>
    tpu.wait_dma2 semaphore(%arg8 : memref<!tpu.dma_semaphore, #tpu.memory_space<semaphore_mem>>) src(%arg6 : memref<16384xf32, #tpu.memory_space<vmem>>) dst(%dma_wait3A_126 : memref<16384xf32, #tpu.memory_space<hbm>>)
    %add3A_127 = arith.constant 80 : i32
    %add3A_128 = arith.addi %mul3A_2, %add3A_127 : i32
    %mul3A_129 = arith.constant 200 : i32
    %mul3A_130 = arith.muli %add3A_128, %mul3A_129 : i32
    "tpu.region"() ({
      %run_scoped3A = tpu.sem_alloc : memref<!tpu.dma_semaphore, #tpu.memory_space<semaphore_mem>>
      %dma_start3A_201 = tpu.memref_slice %arg2[%mul3A_130] : memref<819200xi32, #tpu.memory_space<hbm>> -> memref<3200xi32, #tpu.memory_space<hbm>>
      %dma_start3A_202 = tpu.memref_slice %arg2[%mul3A_130] : memref<819200xi32, #tpu.memory_space<hbm>> -> memref<3200xi32, #tpu.memory_space<hbm>>
      tpu.enqueue_dma source(%dma_start3A_202 : memref<3200xi32, #tpu.memory_space<hbm>>) target(%arg4 : memref<3200xi32, #tpu.memory_space<vmem>>) target_semaphore(%run_scoped3A : memref<!tpu.dma_semaphore, #tpu.memory_space<semaphore_mem>>)
      %dma_wait3A_203 = tpu.memref_slice %arg2[%mul3A_130] : memref<819200xi32, #tpu.memory_space<hbm>> -> memref<3200xi32, #tpu.memory_space<hbm>>
      %dma_wait3A_204 = tpu.memref_slice %arg2[%mul3A_130] : memref<819200xi32, #tpu.memory_space<hbm>> -> memref<3200xi32, #tpu.memory_space<hbm>>
      tpu.wait_dma2 semaphore(%run_scoped3A : memref<!tpu.dma_semaphore, #tpu.memory_space<semaphore_mem>>) src(%dma_wait3A_204 : memref<3200xi32, #tpu.memory_space<hbm>>) dst(%arg4 : memref<3200xi32, #tpu.memory_space<vmem>>)
      tpu.yield
    }) : () -> ()
    %scan3A_131 = arith.constant 0 : i32
    %scan3A_132 = arith.constant 0 : i32
    %scan3A_133 = arith.constant 64 : i32
    %scan3A_134 = arith.addi %scan3A_132, %scan3A_133 : i32
    %scan3A_135 = arith.constant 1 : i32
    %scan3A_136 = scf.for %scan3A_201 = %scan3A_132 to %scan3A_134 step %scan3A_135 iter_args(%scan3A_202 = %scan3A_131) -> (i32)  : i32 {
      %mul3A_203 = arith.constant 16 : i32
      %mul3A_204 = arith.muli %scan3A_201, %mul3A_203 : i32
      %add3A_205 = arith.constant 0 : i32
      %add3A_206 = arith.addi %mul3A_204, %add3A_205 : i32
      %mul3A_207 = arith.constant 16 : i32
      %mul3A_208 = arith.muli %add3A_206, %mul3A_207 : i32
      %swap3A = arith.index_cast %mul3A_208 : i32 to index
      %swap3A_209 = tpu.vector_load %arg6[%swap3A] {strides = array<i32>} : memref<16384xf32, #tpu.memory_space<vmem>>, vector<16xf32>,
      tpu.vector_store %arg6[%swap3A], %broadcast_in_dim3A_3 {strides = array<i32>} : memref<16384xf32, #tpu.memory_space<vmem>>, vector<16xf32>,
      %mul3A_210 = arith.constant 16 : i32
      %mul3A_211 = arith.muli %scan3A_201, %mul3A_210 : i32
      %add3A_212 = arith.constant 1 : i32
      %add3A_213 = arith.addi %mul3A_211, %add3A_212 : i32
      %mul3A_214 = arith.constant 16 : i32
      %mul3A_215 = arith.muli %add3A_213, %mul3A_214 : i32
      %swap3A_216 = arith.index_cast %mul3A_215 : i32 to index
      %swap3A_217 = tpu.vector_load %arg6[%swap3A_216] {strides = array<i32>} : memref<16384xf32, #tpu.memory_space<vmem>>, vector<16xf32>,
      tpu.vector_store %arg6[%swap3A_216], %broadcast_in_dim3A_3 {strides = array<i32>} : memref<16384xf32, #tpu.memory_space<vmem>>, vector<16xf32>,
      %mul3A_218 = arith.constant 16 : i32
      %mul3A_219 = arith.muli %scan3A_201, %mul3A_218 : i32
      %add3A_220 = arith.constant 2 : i32
      %add3A_221 = arith.addi %mul3A_219, %add3A_220 : i32
      %mul3A_222 = arith.constant 16 : i32
      %mul3A_223 = arith.muli %add3A_221, %mul3A_222 : i32
      %swap3A_224 = arith.index_cast %mul3A_223 : i32 to index
      %swap3A_225 = tpu.vector_load %arg6[%swap3A_224] {strides = array<i32>} : memref<16384xf32, #tpu.memory_space<vmem>>, vector<16xf32>,
      tpu.vector_store %arg6[%swap3A_224], %broadcast_in_dim3A_3 {strides = array<i32>} : memref<16384xf32, #tpu.memory_space<vmem>>, vector<16xf32>,
      %mul3A_226 = arith.constant 16 : i32
      %mul3A_227 = arith.muli %scan3A_201, %mul3A_226 : i32
      %add3A_228 = arith.constant 3 : i32
      %add3A_229 = arith.addi %mul3A_227, %add3A_228 : i32
      %mul3A_230 = arith.constant 16 : i32
      %mul3A_231 = arith.muli %add3A_229, %mul3A_230 : i32
      %swap3A_232 = arith.index_cast %mul3A_231 : i32 to index
      %swap3A_233 = tpu.vector_load %arg6[%swap3A_232] {strides = array<i32>} : memref<16384xf32, #tpu.memory_space<vmem>>, vector<16xf32>,
      tpu.vector_store %arg6[%swap3A_232], %broadcast_in_dim3A_3 {strides = array<i32>} : memref<16384xf32, #tpu.memory_space<vmem>>, vector<16xf32>,
      %mul3A_234 = arith.constant 16 : i32
      %mul3A_235 = arith.muli %scan3A_201, %mul3A_234 : i32
      %add3A_236 = arith.constant 4 : i32
      %add3A_237 = arith.addi %mul3A_235, %add3A_236 : i32
      %mul3A_238 = arith.constant 16 : i32
      %mul3A_239 = arith.muli %add3A_237, %mul3A_238 : i32
      %swap3A_240 = arith.index_cast %mul3A_239 : i32 to index
      %swap3A_241 = tpu.vector_load %arg6[%swap3A_240] {strides = array<i32>} : memref<16384xf32, #tpu.memory_space<vmem>>, vector<16xf32>,
      tpu.vector_store %arg6[%swap3A_240], %broadcast_in_dim3A_3 {strides = array<i32>} : memref<16384xf32, #tpu.memory_space<vmem>>, vector<16xf32>,
      %mul3A_242 = arith.constant 16 : i32
      %mul3A_243 = arith.muli %scan3A_201, %mul3A_242 : i32
      %add3A_244 = arith.constant 5 : i32
      %add3A_245 = arith.addi %mul3A_243, %add3A_244 : i32
      %mul3A_246 = arith.constant 16 : i32
      %mul3A_247 = arith.muli %add3A_245, %mul3A_246 : i32
      %swap3A_248 = arith.index_cast %mul3A_247 : i32 to index
      %swap3A_249 = tpu.vector_load %arg6[%swap3A_248] {strides = array<i32>} : memref<16384xf32, #tpu.memory_space<vmem>>, vector<16xf32>,
      tpu.vector_store %arg6[%swap3A_248], %broadcast_in_dim3A_3 {strides = array<i32>} : memref<16384xf32, #tpu.memory_space<vmem>>, vector<16xf32>,
      %mul3A_250 = arith.constant 16 : i32
      %mul3A_251 = arith.muli %scan3A_201, %mul3A_250 : i32
      %add3A_252 = arith.constant 6 : i32
      %add3A_253 = arith.addi %mul3A_251, %add3A_252 : i32
      %mul3A_254 = arith.constant 16 : i32
      %mul3A_255 = arith.muli %add3A_253, %mul3A_254 : i32
      %swap3A_256 = arith.index_cast %mul3A_255 : i32 to index
      %swap3A_257 = tpu.vector_load %arg6[%swap3A_256] {strides = array<i32>} : memref<16384xf32, #tpu.memory_space<vmem>>, vector<16xf32>,
      tpu.vector_store %arg6[%swap3A_256], %broadcast_in_dim3A_3 {strides = array<i32>} : memref<16384xf32, #tpu.memory_space<vmem>>, vector<16xf32>,
      %mul3A_258 = arith.constant 16 : i32
      %mul3A_259 = arith.muli %scan3A_201, %mul3A_258 : i32
      %add3A_260 = arith.constant 7 : i32
      %add3A_261 = arith.addi %mul3A_259, %add3A_260 : i32
      %mul3A_262 = arith.constant 16 : i32
      %mul3A_263 = arith.muli %add3A_261, %mul3A_262 : i32
      %swap3A_264 = arith.index_cast %mul3A_263 : i32 to index
      %swap3A_265 = tpu.vector_load %arg6[%swap3A_264] {strides = array<i32>} : memref<16384xf32, #tpu.memory_space<vmem>>, vector<16xf32>,
      tpu.vector_store %arg6[%swap3A_264], %broadcast_in_dim3A_3 {strides = array<i32>} : memref<16384xf32, #tpu.memory_space<vmem>>, vector<16xf32>,
      %mul3A_266 = arith.constant 16 : i32
      %mul3A_267 = arith.muli %scan3A_201, %mul3A_266 : i32
      %add3A_268 = arith.constant 8 : i32
      %add3A_269 = arith.addi %mul3A_267, %add3A_268 : i32
      %mul3A_270 = arith.constant 16 : i32
      %mul3A_271 = arith.muli %add3A_269, %mul3A_270 : i32
      %swap3A_272 = arith.index_cast %mul3A_271 : i32 to index
      %swap3A_273 = tpu.vector_load %arg6[%swap3A_272] {strides = array<i32>} : memref<16384xf32, #tpu.memory_space<vmem>>, vector<16xf32>,
      tpu.vector_store %arg6[%swap3A_272], %broadcast_in_dim3A_3 {strides = array<i32>} : memref<16384xf32, #tpu.memory_space<vmem>>, vector<16xf32>,
      %mul3A_274 = arith.constant 16 : i32
      %mul3A_275 = arith.muli %scan3A_201, %mul3A_274 : i32
      %add3A_276 = arith.constant 9 : i32
      %add3A_277 = arith.addi %mul3A_275, %add3A_276 : i32
      %mul3A_278 = arith.constant 16 : i32
      %mul3A_279 = arith.muli %add3A_277, %mul3A_278 : i32
      %swap3A_280 = arith.index_cast %mul3A_279 : i32 to index
      %swap3A_281 = tpu.vector_load %arg6[%swap3A_280] {strides = array<i32>} : memref<16384xf32, #tpu.memory_space<vmem>>, vector<16xf32>,
      tpu.vector_store %arg6[%swap3A_280], %broadcast_in_dim3A_3 {strides = array<i32>} : memref<16384xf32, #tpu.memory_space<vmem>>, vector<16xf32>,
      %mul3A_282 = arith.constant 16 : i32
      %mul3A_283 = arith.muli %scan3A_201, %mul3A_282 : i32
      %add3A_284 = arith.constant 10 : i32
      %add3A_285 = arith.addi %mul3A_283, %add3A_284 : i32
      %mul3A_286 = arith.constant 16 : i32
      %mul3A_287 = arith.muli %add3A_285, %mul3A_286 : i32
      %swap3A_288 = arith.index_cast %mul3A_287 : i32 to index
      %swap3A_289 = tpu.vector_load %arg6[%swap3A_288] {strides = array<i32>} : memref<16384xf32, #tpu.memory_space<vmem>>, vector<16xf32>,
      tpu.vector_store %arg6[%swap3A_288], %broadcast_in_dim3A_3 {strides = array<i32>} : memref<16384xf32, #tpu.memory_space<vmem>>, vector<16xf32>,
      %mul3A_290 = arith.constant 16 : i32
      %mul3A_291 = arith.muli %scan3A_201, %mul3A_290 : i32
      %add3A_292 = arith.constant 11 : i32
      %add3A_293 = arith.addi %mul3A_291, %add3A_292 : i32
      %mul3A_294 = arith.constant 16 : i32
      %mul3A_295 = arith.muli %add3A_293, %mul3A_294 : i32
      %swap3A_296 = arith.index_cast %mul3A_295 : i32 to index
      %swap3A_297 = tpu.vector_load %arg6[%swap3A_296] {strides = array<i32>} : memref<16384xf32, #tpu.memory_space<vmem>>, vector<16xf32>,
      tpu.vector_store %arg6[%swap3A_296], %broadcast_in_dim3A_3 {strides = array<i32>} : memref<16384xf32, #tpu.memory_space<vmem>>, vector<16xf32>,
      %mul3A_298 = arith.constant 16 : i32
      %mul3A_299 = arith.muli %scan3A_201, %mul3A_298 : i32
      %add3A_300 = arith.constant 12 : i32
      %add3A_301 = arith.addi %mul3A_299, %add3A_300 : i32
      %mul3A_302 = arith.constant 16 : i32
      %mul3A_303 = arith.muli %add3A_301, %mul3A_302 : i32
      %swap3A_304 = arith.index_cast %mul3A_303 : i32 to index
      %swap3A_305 = tpu.vector_load %arg6[%swap3A_304] {strides = array<i32>} : memref<16384xf32, #tpu.memory_space<vmem>>, vector<16xf32>,
      tpu.vector_store %arg6[%swap3A_304], %broadcast_in_dim3A_3 {strides = array<i32>} : memref<16384xf32, #tpu.memory_space<vmem>>, vector<16xf32>,
      %mul3A_306 = arith.constant 16 : i32
      %mul3A_307 = arith.muli %scan3A_201, %mul3A_306 : i32
      %add3A_308 = arith.constant 13 : i32
      %add3A_309 = arith.addi %mul3A_307, %add3A_308 : i32
      %mul3A_310 = arith.constant 16 : i32
      %mul3A_311 = arith.muli %add3A_309, %mul3A_310 : i32
      %swap3A_312 = arith.index_cast %mul3A_311 : i32 to index
      %swap3A_313 = tpu.vector_load %arg6[%swap3A_312] {strides = array<i32>} : memref<16384xf32, #tpu.memory_space<vmem>>, vector<16xf32>,
      tpu.vector_store %arg6[%swap3A_312], %broadcast_in_dim3A_3 {strides = array<i32>} : memref<16384xf32, #tpu.memory_space<vmem>>, vector<16xf32>,
      %mul3A_314 = arith.constant 16 : i32
      %mul3A_315 = arith.muli %scan3A_201, %mul3A_314 : i32
      %add3A_316 = arith.constant 14 : i32
      %add3A_317 = arith.addi %mul3A_315, %add3A_316 : i32
      %mul3A_318 = arith.constant 16 : i32
      %mul3A_319 = arith.muli %add3A_317, %mul3A_318 : i32
      %swap3A_320 = arith.index_cast %mul3A_319 : i32 to index
      %swap3A_321 = tpu.vector_load %arg6[%swap3A_320] {strides = array<i32>} : memref<16384xf32, #tpu.memory_space<vmem>>, vector<16xf32>,
      tpu.vector_store %arg6[%swap3A_320], %broadcast_in_dim3A_3 {strides = array<i32>} : memref<16384xf32, #tpu.memory_space<vmem>>, vector<16xf32>,
      %mul3A_322 = arith.constant 16 : i32
      %mul3A_323 = arith.muli %scan3A_201, %mul3A_322 : i32
      %add3A_324 = arith.constant 15 : i32
      %add3A_325 = arith.addi %mul3A_323, %add3A_324 : i32
      %mul3A_326 = arith.constant 16 : i32
      %mul3A_327 = arith.muli %add3A_325, %mul3A_326 : i32
      %swap3A_328 = arith.index_cast %mul3A_327 : i32 to index
      %swap3A_329 = tpu.vector_load %arg6[%swap3A_328] {strides = array<i32>} : memref<16384xf32, #tpu.memory_space<vmem>>, vector<16xf32>,
      tpu.vector_store %arg6[%swap3A_328], %broadcast_in_dim3A_3 {strides = array<i32>} : memref<16384xf32, #tpu.memory_space<vmem>>, vector<16xf32>,
      %scan3A_330 = arith.constant 0 : i32
      scf.yield %scan3A_330 : i32
    }
    %scan3A_137 = arith.constant 64 : i32
    %scan3A_138 = arith.constant 0 : i32
    %scan3A_139 = arith.constant 0 : i32
    %scan3A_140 = arith.constant 50 : i32
    %scan3A_141 = arith.addi %scan3A_139, %scan3A_140 : i32
    %scan3A_142 = arith.constant 1 : i32
    %scan3A_143 = scf.for %scan3A_201 = %scan3A_139 to %scan3A_141 step %scan3A_142 iter_args(%scan3A_202 = %scan3A_138) -> (i32)  : i32 {
      %mul3A_203 = arith.constant 4 : i32
      %mul3A_204 = arith.muli %scan3A_201, %mul3A_203 : i32
      %add3A_205 = arith.constant 0 : i32
      %add3A_206 = arith.addi %mul3A_204, %add3A_205 : i32
      %add3A_207 = vector.broadcast %add3A_206 : i32 to vector<16xi32>
      %add3A_208 = arith.addi %mul3A_8, %add3A_207 : vector<16xi32>
      %gather3A = tpu.vector_load_idx %arg4[%add3A_208] : memref<3200xi32, #tpu.memory_space<vmem>>[vector<16xi32>], vector<16xi32>,
      %and3A = arith.constant 1023 : i32
      %and3A_209 = vector.broadcast %and3A : i32 to vector<16xi32>
      %and3A_210 = arith.andi %gather3A, %and3A_209 : vector<16xi32>
      %add3A_211 = arith.addi %mul3A_11, %and3A_210 : vector<16xi32>
      tpu.vector_store_idx %arg6[%add3A_211], %broadcast_in_dim3A_5 {add = true} : memref<16384xf32, #tpu.memory_space<vmem>>[vector<16xi32>], vector<16xf32>,
      %mul3A_212 = arith.constant 4 : i32
      %mul3A_213 = arith.muli %scan3A_201, %mul3A_212 : i32
      %add3A_214 = arith.constant 1 : i32
      %add3A_215 = arith.addi %mul3A_213, %add3A_214 : i32
      %add3A_216 = vector.broadcast %add3A_215 : i32 to vector<16xi32>
      %add3A_217 = arith.addi %mul3A_8, %add3A_216 : vector<16xi32>
      %gather3A_218 = tpu.vector_load_idx %arg4[%add3A_217] : memref<3200xi32, #tpu.memory_space<vmem>>[vector<16xi32>], vector<16xi32>,
      %and3A_219 = arith.constant 1023 : i32
      %and3A_220 = vector.broadcast %and3A_219 : i32 to vector<16xi32>
      %and3A_221 = arith.andi %gather3A_218, %and3A_220 : vector<16xi32>
      %add3A_222 = arith.addi %mul3A_11, %and3A_221 : vector<16xi32>
      tpu.vector_store_idx %arg6[%add3A_222], %broadcast_in_dim3A_5 {add = true} : memref<16384xf32, #tpu.memory_space<vmem>>[vector<16xi32>], vector<16xf32>,
      %mul3A_223 = arith.constant 4 : i32
      %mul3A_224 = arith.muli %scan3A_201, %mul3A_223 : i32
      %add3A_225 = arith.constant 2 : i32
      %add3A_226 = arith.addi %mul3A_224, %add3A_225 : i32
      %add3A_227 = vector.broadcast %add3A_226 : i32 to vector<16xi32>
      %add3A_228 = arith.addi %mul3A_8, %add3A_227 : vector<16xi32>
      %gather3A_229 = tpu.vector_load_idx %arg4[%add3A_228] : memref<3200xi32, #tpu.memory_space<vmem>>[vector<16xi32>], vector<16xi32>,
      %and3A_230 = arith.constant 1023 : i32
      %and3A_231 = vector.broadcast %and3A_230 : i32 to vector<16xi32>
      %and3A_232 = arith.andi %gather3A_229, %and3A_231 : vector<16xi32>
      %add3A_233 = arith.addi %mul3A_11, %and3A_232 : vector<16xi32>
      tpu.vector_store_idx %arg6[%add3A_233], %broadcast_in_dim3A_5 {add = true} : memref<16384xf32, #tpu.memory_space<vmem>>[vector<16xi32>], vector<16xf32>,
      %mul3A_234 = arith.constant 4 : i32
      %mul3A_235 = arith.muli %scan3A_201, %mul3A_234 : i32
      %add3A_236 = arith.constant 3 : i32
      %add3A_237 = arith.addi %mul3A_235, %add3A_236 : i32
      %add3A_238 = vector.broadcast %add3A_237 : i32 to vector<16xi32>
      %add3A_239 = arith.addi %mul3A_8, %add3A_238 : vector<16xi32>
      %gather3A_240 = tpu.vector_load_idx %arg4[%add3A_239] : memref<3200xi32, #tpu.memory_space<vmem>>[vector<16xi32>], vector<16xi32>,
      %and3A_241 = arith.constant 1023 : i32
      %and3A_242 = vector.broadcast %and3A_241 : i32 to vector<16xi32>
      %and3A_243 = arith.andi %gather3A_240, %and3A_242 : vector<16xi32>
      %add3A_244 = arith.addi %mul3A_11, %and3A_243 : vector<16xi32>
      tpu.vector_store_idx %arg6[%add3A_244], %broadcast_in_dim3A_5 {add = true} : memref<16384xf32, #tpu.memory_space<vmem>>[vector<16xi32>], vector<16xf32>,
      %scan3A_245 = arith.constant 0 : i32
      scf.yield %scan3A_245 : i32
    }
    %scan3A_144 = arith.constant 50 : i32
    %mul3A_145 = arith.constant 1024 : i32
    %mul3A_146 = arith.muli %add3A_128, %mul3A_145 : i32
    %dma_start3A_147 = tpu.memref_slice %arg3[%mul3A_146] : memref<4194304xf32, #tpu.memory_space<hbm>> -> memref<16384xf32, #tpu.memory_space<hbm>>
    %dma_start3A_148 = tpu.memref_slice %arg3[%mul3A_146] : memref<4194304xf32, #tpu.memory_space<hbm>> -> memref<16384xf32, #tpu.memory_space<hbm>>
    tpu.enqueue_dma source(%arg6 : memref<16384xf32, #tpu.memory_space<vmem>>) target(%dma_start3A_148 : memref<16384xf32, #tpu.memory_space<hbm>>) target_semaphore(%arg8 : memref<!tpu.dma_semaphore, #tpu.memory_space<semaphore_mem>>)
    %dma_wait3A_149 = tpu.memref_slice %arg3[%mul3A_122] : memref<4194304xf32, #tpu.memory_space<hbm>> -> memref<16384xf32, #tpu.memory_space<hbm>>
    %dma_wait3A_150 = tpu.memref_slice %arg3[%mul3A_122] : memref<4194304xf32, #tpu.memory_space<hbm>> -> memref<16384xf32, #tpu.memory_space<hbm>>
    tpu.wait_dma2 semaphore(%arg7 : memref<!tpu.dma_semaphore, #tpu.memory_space<semaphore_mem>>) src(%arg5 : memref<16384xf32, #tpu.memory_space<vmem>>) dst(%dma_wait3A_150 : memref<16384xf32, #tpu.memory_space<hbm>>)
    %add3A_151 = arith.constant 96 : i32
    %add3A_152 = arith.addi %mul3A_2, %add3A_151 : i32
    %mul3A_153 = arith.constant 200 : i32
    %mul3A_154 = arith.muli %add3A_152, %mul3A_153 : i32
    "tpu.region"() ({
      %run_scoped3A = tpu.sem_alloc : memref<!tpu.dma_semaphore, #tpu.memory_space<semaphore_mem>>
      %dma_start3A_201 = tpu.memref_slice %arg2[%mul3A_154] : memref<819200xi32, #tpu.memory_space<hbm>> -> memref<3200xi32, #tpu.memory_space<hbm>>
      %dma_start3A_202 = tpu.memref_slice %arg2[%mul3A_154] : memref<819200xi32, #tpu.memory_space<hbm>> -> memref<3200xi32, #tpu.memory_space<hbm>>
      tpu.enqueue_dma source(%dma_start3A_202 : memref<3200xi32, #tpu.memory_space<hbm>>) target(%arg4 : memref<3200xi32, #tpu.memory_space<vmem>>) target_semaphore(%run_scoped3A : memref<!tpu.dma_semaphore, #tpu.memory_space<semaphore_mem>>)
      %dma_wait3A_203 = tpu.memref_slice %arg2[%mul3A_154] : memref<819200xi32, #tpu.memory_space<hbm>> -> memref<3200xi32, #tpu.memory_space<hbm>>
      %dma_wait3A_204 = tpu.memref_slice %arg2[%mul3A_154] : memref<819200xi32, #tpu.memory_space<hbm>> -> memref<3200xi32, #tpu.memory_space<hbm>>
      tpu.wait_dma2 semaphore(%run_scoped3A : memref<!tpu.dma_semaphore, #tpu.memory_space<semaphore_mem>>) src(%dma_wait3A_204 : memref<3200xi32, #tpu.memory_space<hbm>>) dst(%arg4 : memref<3200xi32, #tpu.memory_space<vmem>>)
      tpu.yield
    }) : () -> ()
    %scan3A_155 = arith.constant 0 : i32
    %scan3A_156 = arith.constant 0 : i32
    %scan3A_157 = arith.constant 64 : i32
    %scan3A_158 = arith.addi %scan3A_156, %scan3A_157 : i32
    %scan3A_159 = arith.constant 1 : i32
    %scan3A_160 = scf.for %scan3A_201 = %scan3A_156 to %scan3A_158 step %scan3A_159 iter_args(%scan3A_202 = %scan3A_155) -> (i32)  : i32 {
      %mul3A_203 = arith.constant 16 : i32
      %mul3A_204 = arith.muli %scan3A_201, %mul3A_203 : i32
      %add3A_205 = arith.constant 0 : i32
      %add3A_206 = arith.addi %mul3A_204, %add3A_205 : i32
      %mul3A_207 = arith.constant 16 : i32
      %mul3A_208 = arith.muli %add3A_206, %mul3A_207 : i32
      %swap3A = arith.index_cast %mul3A_208 : i32 to index
      %swap3A_209 = tpu.vector_load %arg5[%swap3A] {strides = array<i32>} : memref<16384xf32, #tpu.memory_space<vmem>>, vector<16xf32>,
      tpu.vector_store %arg5[%swap3A], %broadcast_in_dim3A_3 {strides = array<i32>} : memref<16384xf32, #tpu.memory_space<vmem>>, vector<16xf32>,
      %mul3A_210 = arith.constant 16 : i32
      %mul3A_211 = arith.muli %scan3A_201, %mul3A_210 : i32
      %add3A_212 = arith.constant 1 : i32
      %add3A_213 = arith.addi %mul3A_211, %add3A_212 : i32
      %mul3A_214 = arith.constant 16 : i32
      %mul3A_215 = arith.muli %add3A_213, %mul3A_214 : i32
      %swap3A_216 = arith.index_cast %mul3A_215 : i32 to index
      %swap3A_217 = tpu.vector_load %arg5[%swap3A_216] {strides = array<i32>} : memref<16384xf32, #tpu.memory_space<vmem>>, vector<16xf32>,
      tpu.vector_store %arg5[%swap3A_216], %broadcast_in_dim3A_3 {strides = array<i32>} : memref<16384xf32, #tpu.memory_space<vmem>>, vector<16xf32>,
      %mul3A_218 = arith.constant 16 : i32
      %mul3A_219 = arith.muli %scan3A_201, %mul3A_218 : i32
      %add3A_220 = arith.constant 2 : i32
      %add3A_221 = arith.addi %mul3A_219, %add3A_220 : i32
      %mul3A_222 = arith.constant 16 : i32
      %mul3A_223 = arith.muli %add3A_221, %mul3A_222 : i32
      %swap3A_224 = arith.index_cast %mul3A_223 : i32 to index
      %swap3A_225 = tpu.vector_load %arg5[%swap3A_224] {strides = array<i32>} : memref<16384xf32, #tpu.memory_space<vmem>>, vector<16xf32>,
      tpu.vector_store %arg5[%swap3A_224], %broadcast_in_dim3A_3 {strides = array<i32>} : memref<16384xf32, #tpu.memory_space<vmem>>, vector<16xf32>,
      %mul3A_226 = arith.constant 16 : i32
      %mul3A_227 = arith.muli %scan3A_201, %mul3A_226 : i32
      %add3A_228 = arith.constant 3 : i32
      %add3A_229 = arith.addi %mul3A_227, %add3A_228 : i32
      %mul3A_230 = arith.constant 16 : i32
      %mul3A_231 = arith.muli %add3A_229, %mul3A_230 : i32
      %swap3A_232 = arith.index_cast %mul3A_231 : i32 to index
      %swap3A_233 = tpu.vector_load %arg5[%swap3A_232] {strides = array<i32>} : memref<16384xf32, #tpu.memory_space<vmem>>, vector<16xf32>,
      tpu.vector_store %arg5[%swap3A_232], %broadcast_in_dim3A_3 {strides = array<i32>} : memref<16384xf32, #tpu.memory_space<vmem>>, vector<16xf32>,
      %mul3A_234 = arith.constant 16 : i32
      %mul3A_235 = arith.muli %scan3A_201, %mul3A_234 : i32
      %add3A_236 = arith.constant 4 : i32
      %add3A_237 = arith.addi %mul3A_235, %add3A_236 : i32
      %mul3A_238 = arith.constant 16 : i32
      %mul3A_239 = arith.muli %add3A_237, %mul3A_238 : i32
      %swap3A_240 = arith.index_cast %mul3A_239 : i32 to index
      %swap3A_241 = tpu.vector_load %arg5[%swap3A_240] {strides = array<i32>} : memref<16384xf32, #tpu.memory_space<vmem>>, vector<16xf32>,
      tpu.vector_store %arg5[%swap3A_240], %broadcast_in_dim3A_3 {strides = array<i32>} : memref<16384xf32, #tpu.memory_space<vmem>>, vector<16xf32>,
      %mul3A_242 = arith.constant 16 : i32
      %mul3A_243 = arith.muli %scan3A_201, %mul3A_242 : i32
      %add3A_244 = arith.constant 5 : i32
      %add3A_245 = arith.addi %mul3A_243, %add3A_244 : i32
      %mul3A_246 = arith.constant 16 : i32
      %mul3A_247 = arith.muli %add3A_245, %mul3A_246 : i32
      %swap3A_248 = arith.index_cast %mul3A_247 : i32 to index
      %swap3A_249 = tpu.vector_load %arg5[%swap3A_248] {strides = array<i32>} : memref<16384xf32, #tpu.memory_space<vmem>>, vector<16xf32>,
      tpu.vector_store %arg5[%swap3A_248], %broadcast_in_dim3A_3 {strides = array<i32>} : memref<16384xf32, #tpu.memory_space<vmem>>, vector<16xf32>,
      %mul3A_250 = arith.constant 16 : i32
      %mul3A_251 = arith.muli %scan3A_201, %mul3A_250 : i32
      %add3A_252 = arith.constant 6 : i32
      %add3A_253 = arith.addi %mul3A_251, %add3A_252 : i32
      %mul3A_254 = arith.constant 16 : i32
      %mul3A_255 = arith.muli %add3A_253, %mul3A_254 : i32
      %swap3A_256 = arith.index_cast %mul3A_255 : i32 to index
      %swap3A_257 = tpu.vector_load %arg5[%swap3A_256] {strides = array<i32>} : memref<16384xf32, #tpu.memory_space<vmem>>, vector<16xf32>,
      tpu.vector_store %arg5[%swap3A_256], %broadcast_in_dim3A_3 {strides = array<i32>} : memref<16384xf32, #tpu.memory_space<vmem>>, vector<16xf32>,
      %mul3A_258 = arith.constant 16 : i32
      %mul3A_259 = arith.muli %scan3A_201, %mul3A_258 : i32
      %add3A_260 = arith.constant 7 : i32
      %add3A_261 = arith.addi %mul3A_259, %add3A_260 : i32
      %mul3A_262 = arith.constant 16 : i32
      %mul3A_263 = arith.muli %add3A_261, %mul3A_262 : i32
      %swap3A_264 = arith.index_cast %mul3A_263 : i32 to index
      %swap3A_265 = tpu.vector_load %arg5[%swap3A_264] {strides = array<i32>} : memref<16384xf32, #tpu.memory_space<vmem>>, vector<16xf32>,
      tpu.vector_store %arg5[%swap3A_264], %broadcast_in_dim3A_3 {strides = array<i32>} : memref<16384xf32, #tpu.memory_space<vmem>>, vector<16xf32>,
      %mul3A_266 = arith.constant 16 : i32
      %mul3A_267 = arith.muli %scan3A_201, %mul3A_266 : i32
      %add3A_268 = arith.constant 8 : i32
      %add3A_269 = arith.addi %mul3A_267, %add3A_268 : i32
      %mul3A_270 = arith.constant 16 : i32
      %mul3A_271 = arith.muli %add3A_269, %mul3A_270 : i32
      %swap3A_272 = arith.index_cast %mul3A_271 : i32 to index
      %swap3A_273 = tpu.vector_load %arg5[%swap3A_272] {strides = array<i32>} : memref<16384xf32, #tpu.memory_space<vmem>>, vector<16xf32>,
      tpu.vector_store %arg5[%swap3A_272], %broadcast_in_dim3A_3 {strides = array<i32>} : memref<16384xf32, #tpu.memory_space<vmem>>, vector<16xf32>,
      %mul3A_274 = arith.constant 16 : i32
      %mul3A_275 = arith.muli %scan3A_201, %mul3A_274 : i32
      %add3A_276 = arith.constant 9 : i32
      %add3A_277 = arith.addi %mul3A_275, %add3A_276 : i32
      %mul3A_278 = arith.constant 16 : i32
      %mul3A_279 = arith.muli %add3A_277, %mul3A_278 : i32
      %swap3A_280 = arith.index_cast %mul3A_279 : i32 to index
      %swap3A_281 = tpu.vector_load %arg5[%swap3A_280] {strides = array<i32>} : memref<16384xf32, #tpu.memory_space<vmem>>, vector<16xf32>,
      tpu.vector_store %arg5[%swap3A_280], %broadcast_in_dim3A_3 {strides = array<i32>} : memref<16384xf32, #tpu.memory_space<vmem>>, vector<16xf32>,
      %mul3A_282 = arith.constant 16 : i32
      %mul3A_283 = arith.muli %scan3A_201, %mul3A_282 : i32
      %add3A_284 = arith.constant 10 : i32
      %add3A_285 = arith.addi %mul3A_283, %add3A_284 : i32
      %mul3A_286 = arith.constant 16 : i32
      %mul3A_287 = arith.muli %add3A_285, %mul3A_286 : i32
      %swap3A_288 = arith.index_cast %mul3A_287 : i32 to index
      %swap3A_289 = tpu.vector_load %arg5[%swap3A_288] {strides = array<i32>} : memref<16384xf32, #tpu.memory_space<vmem>>, vector<16xf32>,
      tpu.vector_store %arg5[%swap3A_288], %broadcast_in_dim3A_3 {strides = array<i32>} : memref<16384xf32, #tpu.memory_space<vmem>>, vector<16xf32>,
      %mul3A_290 = arith.constant 16 : i32
      %mul3A_291 = arith.muli %scan3A_201, %mul3A_290 : i32
      %add3A_292 = arith.constant 11 : i32
      %add3A_293 = arith.addi %mul3A_291, %add3A_292 : i32
      %mul3A_294 = arith.constant 16 : i32
      %mul3A_295 = arith.muli %add3A_293, %mul3A_294 : i32
      %swap3A_296 = arith.index_cast %mul3A_295 : i32 to index
      %swap3A_297 = tpu.vector_load %arg5[%swap3A_296] {strides = array<i32>} : memref<16384xf32, #tpu.memory_space<vmem>>, vector<16xf32>,
      tpu.vector_store %arg5[%swap3A_296], %broadcast_in_dim3A_3 {strides = array<i32>} : memref<16384xf32, #tpu.memory_space<vmem>>, vector<16xf32>,
      %mul3A_298 = arith.constant 16 : i32
      %mul3A_299 = arith.muli %scan3A_201, %mul3A_298 : i32
      %add3A_300 = arith.constant 12 : i32
      %add3A_301 = arith.addi %mul3A_299, %add3A_300 : i32
      %mul3A_302 = arith.constant 16 : i32
      %mul3A_303 = arith.muli %add3A_301, %mul3A_302 : i32
      %swap3A_304 = arith.index_cast %mul3A_303 : i32 to index
      %swap3A_305 = tpu.vector_load %arg5[%swap3A_304] {strides = array<i32>} : memref<16384xf32, #tpu.memory_space<vmem>>, vector<16xf32>,
      tpu.vector_store %arg5[%swap3A_304], %broadcast_in_dim3A_3 {strides = array<i32>} : memref<16384xf32, #tpu.memory_space<vmem>>, vector<16xf32>,
      %mul3A_306 = arith.constant 16 : i32
      %mul3A_307 = arith.muli %scan3A_201, %mul3A_306 : i32
      %add3A_308 = arith.constant 13 : i32
      %add3A_309 = arith.addi %mul3A_307, %add3A_308 : i32
      %mul3A_310 = arith.constant 16 : i32
      %mul3A_311 = arith.muli %add3A_309, %mul3A_310 : i32
      %swap3A_312 = arith.index_cast %mul3A_311 : i32 to index
      %swap3A_313 = tpu.vector_load %arg5[%swap3A_312] {strides = array<i32>} : memref<16384xf32, #tpu.memory_space<vmem>>, vector<16xf32>,
      tpu.vector_store %arg5[%swap3A_312], %broadcast_in_dim3A_3 {strides = array<i32>} : memref<16384xf32, #tpu.memory_space<vmem>>, vector<16xf32>,
      %mul3A_314 = arith.constant 16 : i32
      %mul3A_315 = arith.muli %scan3A_201, %mul3A_314 : i32
      %add3A_316 = arith.constant 14 : i32
      %add3A_317 = arith.addi %mul3A_315, %add3A_316 : i32
      %mul3A_318 = arith.constant 16 : i32
      %mul3A_319 = arith.muli %add3A_317, %mul3A_318 : i32
      %swap3A_320 = arith.index_cast %mul3A_319 : i32 to index
      %swap3A_321 = tpu.vector_load %arg5[%swap3A_320] {strides = array<i32>} : memref<16384xf32, #tpu.memory_space<vmem>>, vector<16xf32>,
      tpu.vector_store %arg5[%swap3A_320], %broadcast_in_dim3A_3 {strides = array<i32>} : memref<16384xf32, #tpu.memory_space<vmem>>, vector<16xf32>,
      %mul3A_322 = arith.constant 16 : i32
      %mul3A_323 = arith.muli %scan3A_201, %mul3A_322 : i32
      %add3A_324 = arith.constant 15 : i32
      %add3A_325 = arith.addi %mul3A_323, %add3A_324 : i32
      %mul3A_326 = arith.constant 16 : i32
      %mul3A_327 = arith.muli %add3A_325, %mul3A_326 : i32
      %swap3A_328 = arith.index_cast %mul3A_327 : i32 to index
      %swap3A_329 = tpu.vector_load %arg5[%swap3A_328] {strides = array<i32>} : memref<16384xf32, #tpu.memory_space<vmem>>, vector<16xf32>,
      tpu.vector_store %arg5[%swap3A_328], %broadcast_in_dim3A_3 {strides = array<i32>} : memref<16384xf32, #tpu.memory_space<vmem>>, vector<16xf32>,
      %scan3A_330 = arith.constant 0 : i32
      scf.yield %scan3A_330 : i32
    }
    %scan3A_161 = arith.constant 64 : i32
    %scan3A_162 = arith.constant 0 : i32
    %scan3A_163 = arith.constant 0 : i32
    %scan3A_164 = arith.constant 50 : i32
    %scan3A_165 = arith.addi %scan3A_163, %scan3A_164 : i32
    %scan3A_166 = arith.constant 1 : i32
    %scan3A_167 = scf.for %scan3A_201 = %scan3A_163 to %scan3A_165 step %scan3A_166 iter_args(%scan3A_202 = %scan3A_162) -> (i32)  : i32 {
      %mul3A_203 = arith.constant 4 : i32
      %mul3A_204 = arith.muli %scan3A_201, %mul3A_203 : i32
      %add3A_205 = arith.constant 0 : i32
      %add3A_206 = arith.addi %mul3A_204, %add3A_205 : i32
      %add3A_207 = vector.broadcast %add3A_206 : i32 to vector<16xi32>
      %add3A_208 = arith.addi %mul3A_8, %add3A_207 : vector<16xi32>
      %gather3A = tpu.vector_load_idx %arg4[%add3A_208] : memref<3200xi32, #tpu.memory_space<vmem>>[vector<16xi32>], vector<16xi32>,
      %and3A = arith.constant 1023 : i32
      %and3A_209 = vector.broadcast %and3A : i32 to vector<16xi32>
      %and3A_210 = arith.andi %gather3A, %and3A_209 : vector<16xi32>
      %add3A_211 = arith.addi %mul3A_11, %and3A_210 : vector<16xi32>
      tpu.vector_store_idx %arg5[%add3A_211], %broadcast_in_dim3A_5 {add = true} : memref<16384xf32, #tpu.memory_space<vmem>>[vector<16xi32>], vector<16xf32>,
      %mul3A_212 = arith.constant 4 : i32
      %mul3A_213 = arith.muli %scan3A_201, %mul3A_212 : i32
      %add3A_214 = arith.constant 1 : i32
      %add3A_215 = arith.addi %mul3A_213, %add3A_214 : i32
      %add3A_216 = vector.broadcast %add3A_215 : i32 to vector<16xi32>
      %add3A_217 = arith.addi %mul3A_8, %add3A_216 : vector<16xi32>
      %gather3A_218 = tpu.vector_load_idx %arg4[%add3A_217] : memref<3200xi32, #tpu.memory_space<vmem>>[vector<16xi32>], vector<16xi32>,
      %and3A_219 = arith.constant 1023 : i32
      %and3A_220 = vector.broadcast %and3A_219 : i32 to vector<16xi32>
      %and3A_221 = arith.andi %gather3A_218, %and3A_220 : vector<16xi32>
      %add3A_222 = arith.addi %mul3A_11, %and3A_221 : vector<16xi32>
      tpu.vector_store_idx %arg5[%add3A_222], %broadcast_in_dim3A_5 {add = true} : memref<16384xf32, #tpu.memory_space<vmem>>[vector<16xi32>], vector<16xf32>,
      %mul3A_223 = arith.constant 4 : i32
      %mul3A_224 = arith.muli %scan3A_201, %mul3A_223 : i32
      %add3A_225 = arith.constant 2 : i32
      %add3A_226 = arith.addi %mul3A_224, %add3A_225 : i32
      %add3A_227 = vector.broadcast %add3A_226 : i32 to vector<16xi32>
      %add3A_228 = arith.addi %mul3A_8, %add3A_227 : vector<16xi32>
      %gather3A_229 = tpu.vector_load_idx %arg4[%add3A_228] : memref<3200xi32, #tpu.memory_space<vmem>>[vector<16xi32>], vector<16xi32>,
      %and3A_230 = arith.constant 1023 : i32
      %and3A_231 = vector.broadcast %and3A_230 : i32 to vector<16xi32>
      %and3A_232 = arith.andi %gather3A_229, %and3A_231 : vector<16xi32>
      %add3A_233 = arith.addi %mul3A_11, %and3A_232 : vector<16xi32>
      tpu.vector_store_idx %arg5[%add3A_233], %broadcast_in_dim3A_5 {add = true} : memref<16384xf32, #tpu.memory_space<vmem>>[vector<16xi32>], vector<16xf32>,
      %mul3A_234 = arith.constant 4 : i32
      %mul3A_235 = arith.muli %scan3A_201, %mul3A_234 : i32
      %add3A_236 = arith.constant 3 : i32
      %add3A_237 = arith.addi %mul3A_235, %add3A_236 : i32
      %add3A_238 = vector.broadcast %add3A_237 : i32 to vector<16xi32>
      %add3A_239 = arith.addi %mul3A_8, %add3A_238 : vector<16xi32>
      %gather3A_240 = tpu.vector_load_idx %arg4[%add3A_239] : memref<3200xi32, #tpu.memory_space<vmem>>[vector<16xi32>], vector<16xi32>,
      %and3A_241 = arith.constant 1023 : i32
      %and3A_242 = vector.broadcast %and3A_241 : i32 to vector<16xi32>
      %and3A_243 = arith.andi %gather3A_240, %and3A_242 : vector<16xi32>
      %add3A_244 = arith.addi %mul3A_11, %and3A_243 : vector<16xi32>
      tpu.vector_store_idx %arg5[%add3A_244], %broadcast_in_dim3A_5 {add = true} : memref<16384xf32, #tpu.memory_space<vmem>>[vector<16xi32>], vector<16xf32>,
      %scan3A_245 = arith.constant 0 : i32
      scf.yield %scan3A_245 : i32
    }
    %scan3A_168 = arith.constant 50 : i32
    %mul3A_169 = arith.constant 1024 : i32
    %mul3A_170 = arith.muli %add3A_152, %mul3A_169 : i32
    %dma_start3A_171 = tpu.memref_slice %arg3[%mul3A_170] : memref<4194304xf32, #tpu.memory_space<hbm>> -> memref<16384xf32, #tpu.memory_space<hbm>>
    %dma_start3A_172 = tpu.memref_slice %arg3[%mul3A_170] : memref<4194304xf32, #tpu.memory_space<hbm>> -> memref<16384xf32, #tpu.memory_space<hbm>>
    tpu.enqueue_dma source(%arg5 : memref<16384xf32, #tpu.memory_space<vmem>>) target(%dma_start3A_172 : memref<16384xf32, #tpu.memory_space<hbm>>) target_semaphore(%arg7 : memref<!tpu.dma_semaphore, #tpu.memory_space<semaphore_mem>>)
    %dma_wait3A_173 = tpu.memref_slice %arg3[%mul3A_146] : memref<4194304xf32, #tpu.memory_space<hbm>> -> memref<16384xf32, #tpu.memory_space<hbm>>
    %dma_wait3A_174 = tpu.memref_slice %arg3[%mul3A_146] : memref<4194304xf32, #tpu.memory_space<hbm>> -> memref<16384xf32, #tpu.memory_space<hbm>>
    tpu.wait_dma2 semaphore(%arg8 : memref<!tpu.dma_semaphore, #tpu.memory_space<semaphore_mem>>) src(%arg6 : memref<16384xf32, #tpu.memory_space<vmem>>) dst(%dma_wait3A_174 : memref<16384xf32, #tpu.memory_space<hbm>>)
    %add3A_175 = arith.constant 112 : i32
    %add3A_176 = arith.addi %mul3A_2, %add3A_175 : i32
    %mul3A_177 = arith.constant 200 : i32
    %mul3A_178 = arith.muli %add3A_176, %mul3A_177 : i32
    "tpu.region"() ({
      %run_scoped3A = tpu.sem_alloc : memref<!tpu.dma_semaphore, #tpu.memory_space<semaphore_mem>>
      %dma_start3A_201 = tpu.memref_slice %arg2[%mul3A_178] : memref<819200xi32, #tpu.memory_space<hbm>> -> memref<3200xi32, #tpu.memory_space<hbm>>
      %dma_start3A_202 = tpu.memref_slice %arg2[%mul3A_178] : memref<819200xi32, #tpu.memory_space<hbm>> -> memref<3200xi32, #tpu.memory_space<hbm>>
      tpu.enqueue_dma source(%dma_start3A_202 : memref<3200xi32, #tpu.memory_space<hbm>>) target(%arg4 : memref<3200xi32, #tpu.memory_space<vmem>>) target_semaphore(%run_scoped3A : memref<!tpu.dma_semaphore, #tpu.memory_space<semaphore_mem>>)
      %dma_wait3A_203 = tpu.memref_slice %arg2[%mul3A_178] : memref<819200xi32, #tpu.memory_space<hbm>> -> memref<3200xi32, #tpu.memory_space<hbm>>
      %dma_wait3A_204 = tpu.memref_slice %arg2[%mul3A_178] : memref<819200xi32, #tpu.memory_space<hbm>> -> memref<3200xi32, #tpu.memory_space<hbm>>
      tpu.wait_dma2 semaphore(%run_scoped3A : memref<!tpu.dma_semaphore, #tpu.memory_space<semaphore_mem>>) src(%dma_wait3A_204 : memref<3200xi32, #tpu.memory_space<hbm>>) dst(%arg4 : memref<3200xi32, #tpu.memory_space<vmem>>)
      tpu.yield
    }) : () -> ()
    %scan3A_179 = arith.constant 0 : i32
    %scan3A_180 = arith.constant 0 : i32
    %scan3A_181 = arith.constant 64 : i32
    %scan3A_182 = arith.addi %scan3A_180, %scan3A_181 : i32
    %scan3A_183 = arith.constant 1 : i32
    %scan3A_184 = scf.for %scan3A_201 = %scan3A_180 to %scan3A_182 step %scan3A_183 iter_args(%scan3A_202 = %scan3A_179) -> (i32)  : i32 {
      %mul3A_203 = arith.constant 16 : i32
      %mul3A_204 = arith.muli %scan3A_201, %mul3A_203 : i32
      %add3A_205 = arith.constant 0 : i32
      %add3A_206 = arith.addi %mul3A_204, %add3A_205 : i32
      %mul3A_207 = arith.constant 16 : i32
      %mul3A_208 = arith.muli %add3A_206, %mul3A_207 : i32
      %swap3A = arith.index_cast %mul3A_208 : i32 to index
      %swap3A_209 = tpu.vector_load %arg6[%swap3A] {strides = array<i32>} : memref<16384xf32, #tpu.memory_space<vmem>>, vector<16xf32>,
      tpu.vector_store %arg6[%swap3A], %broadcast_in_dim3A_3 {strides = array<i32>} : memref<16384xf32, #tpu.memory_space<vmem>>, vector<16xf32>,
      %mul3A_210 = arith.constant 16 : i32
      %mul3A_211 = arith.muli %scan3A_201, %mul3A_210 : i32
      %add3A_212 = arith.constant 1 : i32
      %add3A_213 = arith.addi %mul3A_211, %add3A_212 : i32
      %mul3A_214 = arith.constant 16 : i32
      %mul3A_215 = arith.muli %add3A_213, %mul3A_214 : i32
      %swap3A_216 = arith.index_cast %mul3A_215 : i32 to index
      %swap3A_217 = tpu.vector_load %arg6[%swap3A_216] {strides = array<i32>} : memref<16384xf32, #tpu.memory_space<vmem>>, vector<16xf32>,
      tpu.vector_store %arg6[%swap3A_216], %broadcast_in_dim3A_3 {strides = array<i32>} : memref<16384xf32, #tpu.memory_space<vmem>>, vector<16xf32>,
      %mul3A_218 = arith.constant 16 : i32
      %mul3A_219 = arith.muli %scan3A_201, %mul3A_218 : i32
      %add3A_220 = arith.constant 2 : i32
      %add3A_221 = arith.addi %mul3A_219, %add3A_220 : i32
      %mul3A_222 = arith.constant 16 : i32
      %mul3A_223 = arith.muli %add3A_221, %mul3A_222 : i32
      %swap3A_224 = arith.index_cast %mul3A_223 : i32 to index
      %swap3A_225 = tpu.vector_load %arg6[%swap3A_224] {strides = array<i32>} : memref<16384xf32, #tpu.memory_space<vmem>>, vector<16xf32>,
      tpu.vector_store %arg6[%swap3A_224], %broadcast_in_dim3A_3 {strides = array<i32>} : memref<16384xf32, #tpu.memory_space<vmem>>, vector<16xf32>,
      %mul3A_226 = arith.constant 16 : i32
      %mul3A_227 = arith.muli %scan3A_201, %mul3A_226 : i32
      %add3A_228 = arith.constant 3 : i32
      %add3A_229 = arith.addi %mul3A_227, %add3A_228 : i32
      %mul3A_230 = arith.constant 16 : i32
      %mul3A_231 = arith.muli %add3A_229, %mul3A_230 : i32
      %swap3A_232 = arith.index_cast %mul3A_231 : i32 to index
      %swap3A_233 = tpu.vector_load %arg6[%swap3A_232] {strides = array<i32>} : memref<16384xf32, #tpu.memory_space<vmem>>, vector<16xf32>,
      tpu.vector_store %arg6[%swap3A_232], %broadcast_in_dim3A_3 {strides = array<i32>} : memref<16384xf32, #tpu.memory_space<vmem>>, vector<16xf32>,
      %mul3A_234 = arith.constant 16 : i32
      %mul3A_235 = arith.muli %scan3A_201, %mul3A_234 : i32
      %add3A_236 = arith.constant 4 : i32
      %add3A_237 = arith.addi %mul3A_235, %add3A_236 : i32
      %mul3A_238 = arith.constant 16 : i32
      %mul3A_239 = arith.muli %add3A_237, %mul3A_238 : i32
      %swap3A_240 = arith.index_cast %mul3A_239 : i32 to index
      %swap3A_241 = tpu.vector_load %arg6[%swap3A_240] {strides = array<i32>} : memref<16384xf32, #tpu.memory_space<vmem>>, vector<16xf32>,
      tpu.vector_store %arg6[%swap3A_240], %broadcast_in_dim3A_3 {strides = array<i32>} : memref<16384xf32, #tpu.memory_space<vmem>>, vector<16xf32>,
      %mul3A_242 = arith.constant 16 : i32
      %mul3A_243 = arith.muli %scan3A_201, %mul3A_242 : i32
      %add3A_244 = arith.constant 5 : i32
      %add3A_245 = arith.addi %mul3A_243, %add3A_244 : i32
      %mul3A_246 = arith.constant 16 : i32
      %mul3A_247 = arith.muli %add3A_245, %mul3A_246 : i32
      %swap3A_248 = arith.index_cast %mul3A_247 : i32 to index
      %swap3A_249 = tpu.vector_load %arg6[%swap3A_248] {strides = array<i32>} : memref<16384xf32, #tpu.memory_space<vmem>>, vector<16xf32>,
      tpu.vector_store %arg6[%swap3A_248], %broadcast_in_dim3A_3 {strides = array<i32>} : memref<16384xf32, #tpu.memory_space<vmem>>, vector<16xf32>,
      %mul3A_250 = arith.constant 16 : i32
      %mul3A_251 = arith.muli %scan3A_201, %mul3A_250 : i32
      %add3A_252 = arith.constant 6 : i32
      %add3A_253 = arith.addi %mul3A_251, %add3A_252 : i32
      %mul3A_254 = arith.constant 16 : i32
      %mul3A_255 = arith.muli %add3A_253, %mul3A_254 : i32
      %swap3A_256 = arith.index_cast %mul3A_255 : i32 to index
      %swap3A_257 = tpu.vector_load %arg6[%swap3A_256] {strides = array<i32>} : memref<16384xf32, #tpu.memory_space<vmem>>, vector<16xf32>,
      tpu.vector_store %arg6[%swap3A_256], %broadcast_in_dim3A_3 {strides = array<i32>} : memref<16384xf32, #tpu.memory_space<vmem>>, vector<16xf32>,
      %mul3A_258 = arith.constant 16 : i32
      %mul3A_259 = arith.muli %scan3A_201, %mul3A_258 : i32
      %add3A_260 = arith.constant 7 : i32
      %add3A_261 = arith.addi %mul3A_259, %add3A_260 : i32
      %mul3A_262 = arith.constant 16 : i32
      %mul3A_263 = arith.muli %add3A_261, %mul3A_262 : i32
      %swap3A_264 = arith.index_cast %mul3A_263 : i32 to index
      %swap3A_265 = tpu.vector_load %arg6[%swap3A_264] {strides = array<i32>} : memref<16384xf32, #tpu.memory_space<vmem>>, vector<16xf32>,
      tpu.vector_store %arg6[%swap3A_264], %broadcast_in_dim3A_3 {strides = array<i32>} : memref<16384xf32, #tpu.memory_space<vmem>>, vector<16xf32>,
      %mul3A_266 = arith.constant 16 : i32
      %mul3A_267 = arith.muli %scan3A_201, %mul3A_266 : i32
      %add3A_268 = arith.constant 8 : i32
      %add3A_269 = arith.addi %mul3A_267, %add3A_268 : i32
      %mul3A_270 = arith.constant 16 : i32
      %mul3A_271 = arith.muli %add3A_269, %mul3A_270 : i32
      %swap3A_272 = arith.index_cast %mul3A_271 : i32 to index
      %swap3A_273 = tpu.vector_load %arg6[%swap3A_272] {strides = array<i32>} : memref<16384xf32, #tpu.memory_space<vmem>>, vector<16xf32>,
      tpu.vector_store %arg6[%swap3A_272], %broadcast_in_dim3A_3 {strides = array<i32>} : memref<16384xf32, #tpu.memory_space<vmem>>, vector<16xf32>,
      %mul3A_274 = arith.constant 16 : i32
      %mul3A_275 = arith.muli %scan3A_201, %mul3A_274 : i32
      %add3A_276 = arith.constant 9 : i32
      %add3A_277 = arith.addi %mul3A_275, %add3A_276 : i32
      %mul3A_278 = arith.constant 16 : i32
      %mul3A_279 = arith.muli %add3A_277, %mul3A_278 : i32
      %swap3A_280 = arith.index_cast %mul3A_279 : i32 to index
      %swap3A_281 = tpu.vector_load %arg6[%swap3A_280] {strides = array<i32>} : memref<16384xf32, #tpu.memory_space<vmem>>, vector<16xf32>,
      tpu.vector_store %arg6[%swap3A_280], %broadcast_in_dim3A_3 {strides = array<i32>} : memref<16384xf32, #tpu.memory_space<vmem>>, vector<16xf32>,
      %mul3A_282 = arith.constant 16 : i32
      %mul3A_283 = arith.muli %scan3A_201, %mul3A_282 : i32
      %add3A_284 = arith.constant 10 : i32
      %add3A_285 = arith.addi %mul3A_283, %add3A_284 : i32
      %mul3A_286 = arith.constant 16 : i32
      %mul3A_287 = arith.muli %add3A_285, %mul3A_286 : i32
      %swap3A_288 = arith.index_cast %mul3A_287 : i32 to index
      %swap3A_289 = tpu.vector_load %arg6[%swap3A_288] {strides = array<i32>} : memref<16384xf32, #tpu.memory_space<vmem>>, vector<16xf32>,
      tpu.vector_store %arg6[%swap3A_288], %broadcast_in_dim3A_3 {strides = array<i32>} : memref<16384xf32, #tpu.memory_space<vmem>>, vector<16xf32>,
      %mul3A_290 = arith.constant 16 : i32
      %mul3A_291 = arith.muli %scan3A_201, %mul3A_290 : i32
      %add3A_292 = arith.constant 11 : i32
      %add3A_293 = arith.addi %mul3A_291, %add3A_292 : i32
      %mul3A_294 = arith.constant 16 : i32
      %mul3A_295 = arith.muli %add3A_293, %mul3A_294 : i32
      %swap3A_296 = arith.index_cast %mul3A_295 : i32 to index
      %swap3A_297 = tpu.vector_load %arg6[%swap3A_296] {strides = array<i32>} : memref<16384xf32, #tpu.memory_space<vmem>>, vector<16xf32>,
      tpu.vector_store %arg6[%swap3A_296], %broadcast_in_dim3A_3 {strides = array<i32>} : memref<16384xf32, #tpu.memory_space<vmem>>, vector<16xf32>,
      %mul3A_298 = arith.constant 16 : i32
      %mul3A_299 = arith.muli %scan3A_201, %mul3A_298 : i32
      %add3A_300 = arith.constant 12 : i32
      %add3A_301 = arith.addi %mul3A_299, %add3A_300 : i32
      %mul3A_302 = arith.constant 16 : i32
      %mul3A_303 = arith.muli %add3A_301, %mul3A_302 : i32
      %swap3A_304 = arith.index_cast %mul3A_303 : i32 to index
      %swap3A_305 = tpu.vector_load %arg6[%swap3A_304] {strides = array<i32>} : memref<16384xf32, #tpu.memory_space<vmem>>, vector<16xf32>,
      tpu.vector_store %arg6[%swap3A_304], %broadcast_in_dim3A_3 {strides = array<i32>} : memref<16384xf32, #tpu.memory_space<vmem>>, vector<16xf32>,
      %mul3A_306 = arith.constant 16 : i32
      %mul3A_307 = arith.muli %scan3A_201, %mul3A_306 : i32
      %add3A_308 = arith.constant 13 : i32
      %add3A_309 = arith.addi %mul3A_307, %add3A_308 : i32
      %mul3A_310 = arith.constant 16 : i32
      %mul3A_311 = arith.muli %add3A_309, %mul3A_310 : i32
      %swap3A_312 = arith.index_cast %mul3A_311 : i32 to index
      %swap3A_313 = tpu.vector_load %arg6[%swap3A_312] {strides = array<i32>} : memref<16384xf32, #tpu.memory_space<vmem>>, vector<16xf32>,
      tpu.vector_store %arg6[%swap3A_312], %broadcast_in_dim3A_3 {strides = array<i32>} : memref<16384xf32, #tpu.memory_space<vmem>>, vector<16xf32>,
      %mul3A_314 = arith.constant 16 : i32
      %mul3A_315 = arith.muli %scan3A_201, %mul3A_314 : i32
      %add3A_316 = arith.constant 14 : i32
      %add3A_317 = arith.addi %mul3A_315, %add3A_316 : i32
      %mul3A_318 = arith.constant 16 : i32
      %mul3A_319 = arith.muli %add3A_317, %mul3A_318 : i32
      %swap3A_320 = arith.index_cast %mul3A_319 : i32 to index
      %swap3A_321 = tpu.vector_load %arg6[%swap3A_320] {strides = array<i32>} : memref<16384xf32, #tpu.memory_space<vmem>>, vector<16xf32>,
      tpu.vector_store %arg6[%swap3A_320], %broadcast_in_dim3A_3 {strides = array<i32>} : memref<16384xf32, #tpu.memory_space<vmem>>, vector<16xf32>,
      %mul3A_322 = arith.constant 16 : i32
      %mul3A_323 = arith.muli %scan3A_201, %mul3A_322 : i32
      %add3A_324 = arith.constant 15 : i32
      %add3A_325 = arith.addi %mul3A_323, %add3A_324 : i32
      %mul3A_326 = arith.constant 16 : i32
      %mul3A_327 = arith.muli %add3A_325, %mul3A_326 : i32
      %swap3A_328 = arith.index_cast %mul3A_327 : i32 to index
      %swap3A_329 = tpu.vector_load %arg6[%swap3A_328] {strides = array<i32>} : memref<16384xf32, #tpu.memory_space<vmem>>, vector<16xf32>,
      tpu.vector_store %arg6[%swap3A_328], %broadcast_in_dim3A_3 {strides = array<i32>} : memref<16384xf32, #tpu.memory_space<vmem>>, vector<16xf32>,
      %scan3A_330 = arith.constant 0 : i32
      scf.yield %scan3A_330 : i32
    }
    %scan3A_185 = arith.constant 64 : i32
    %scan3A_186 = arith.constant 0 : i32
    %scan3A_187 = arith.constant 0 : i32
    %scan3A_188 = arith.constant 50 : i32
    %scan3A_189 = arith.addi %scan3A_187, %scan3A_188 : i32
    %scan3A_190 = arith.constant 1 : i32
    %scan3A_191 = scf.for %scan3A_201 = %scan3A_187 to %scan3A_189 step %scan3A_190 iter_args(%scan3A_202 = %scan3A_186) -> (i32)  : i32 {
      %mul3A_203 = arith.constant 4 : i32
      %mul3A_204 = arith.muli %scan3A_201, %mul3A_203 : i32
      %add3A_205 = arith.constant 0 : i32
      %add3A_206 = arith.addi %mul3A_204, %add3A_205 : i32
      %add3A_207 = vector.broadcast %add3A_206 : i32 to vector<16xi32>
      %add3A_208 = arith.addi %mul3A_8, %add3A_207 : vector<16xi32>
      %gather3A = tpu.vector_load_idx %arg4[%add3A_208] : memref<3200xi32, #tpu.memory_space<vmem>>[vector<16xi32>], vector<16xi32>,
      %and3A = arith.constant 1023 : i32
      %and3A_209 = vector.broadcast %and3A : i32 to vector<16xi32>
      %and3A_210 = arith.andi %gather3A, %and3A_209 : vector<16xi32>
      %add3A_211 = arith.addi %mul3A_11, %and3A_210 : vector<16xi32>
      tpu.vector_store_idx %arg6[%add3A_211], %broadcast_in_dim3A_5 {add = true} : memref<16384xf32, #tpu.memory_space<vmem>>[vector<16xi32>], vector<16xf32>,
      %mul3A_212 = arith.constant 4 : i32
      %mul3A_213 = arith.muli %scan3A_201, %mul3A_212 : i32
      %add3A_214 = arith.constant 1 : i32
      %add3A_215 = arith.addi %mul3A_213, %add3A_214 : i32
      %add3A_216 = vector.broadcast %add3A_215 : i32 to vector<16xi32>
      %add3A_217 = arith.addi %mul3A_8, %add3A_216 : vector<16xi32>
      %gather3A_218 = tpu.vector_load_idx %arg4[%add3A_217] : memref<3200xi32, #tpu.memory_space<vmem>>[vector<16xi32>], vector<16xi32>,
      %and3A_219 = arith.constant 1023 : i32
      %and3A_220 = vector.broadcast %and3A_219 : i32 to vector<16xi32>
      %and3A_221 = arith.andi %gather3A_218, %and3A_220 : vector<16xi32>
      %add3A_222 = arith.addi %mul3A_11, %and3A_221 : vector<16xi32>
      tpu.vector_store_idx %arg6[%add3A_222], %broadcast_in_dim3A_5 {add = true} : memref<16384xf32, #tpu.memory_space<vmem>>[vector<16xi32>], vector<16xf32>,
      %mul3A_223 = arith.constant 4 : i32
      %mul3A_224 = arith.muli %scan3A_201, %mul3A_223 : i32
      %add3A_225 = arith.constant 2 : i32
      %add3A_226 = arith.addi %mul3A_224, %add3A_225 : i32
      %add3A_227 = vector.broadcast %add3A_226 : i32 to vector<16xi32>
      %add3A_228 = arith.addi %mul3A_8, %add3A_227 : vector<16xi32>
      %gather3A_229 = tpu.vector_load_idx %arg4[%add3A_228] : memref<3200xi32, #tpu.memory_space<vmem>>[vector<16xi32>], vector<16xi32>,
      %and3A_230 = arith.constant 1023 : i32
      %and3A_231 = vector.broadcast %and3A_230 : i32 to vector<16xi32>
      %and3A_232 = arith.andi %gather3A_229, %and3A_231 : vector<16xi32>
      %add3A_233 = arith.addi %mul3A_11, %and3A_232 : vector<16xi32>
      tpu.vector_store_idx %arg6[%add3A_233], %broadcast_in_dim3A_5 {add = true} : memref<16384xf32, #tpu.memory_space<vmem>>[vector<16xi32>], vector<16xf32>,
      %mul3A_234 = arith.constant 4 : i32
      %mul3A_235 = arith.muli %scan3A_201, %mul3A_234 : i32
      %add3A_236 = arith.constant 3 : i32
      %add3A_237 = arith.addi %mul3A_235, %add3A_236 : i32
      %add3A_238 = vector.broadcast %add3A_237 : i32 to vector<16xi32>
      %add3A_239 = arith.addi %mul3A_8, %add3A_238 : vector<16xi32>
      %gather3A_240 = tpu.vector_load_idx %arg4[%add3A_239] : memref<3200xi32, #tpu.memory_space<vmem>>[vector<16xi32>], vector<16xi32>,
      %and3A_241 = arith.constant 1023 : i32
      %and3A_242 = vector.broadcast %and3A_241 : i32 to vector<16xi32>
      %and3A_243 = arith.andi %gather3A_240, %and3A_242 : vector<16xi32>
      %add3A_244 = arith.addi %mul3A_11, %and3A_243 : vector<16xi32>
      tpu.vector_store_idx %arg6[%add3A_244], %broadcast_in_dim3A_5 {add = true} : memref<16384xf32, #tpu.memory_space<vmem>>[vector<16xi32>], vector<16xf32>,
      %scan3A_245 = arith.constant 0 : i32
      scf.yield %scan3A_245 : i32
    }
    %scan3A_192 = arith.constant 50 : i32
    %mul3A_193 = arith.constant 1024 : i32
    %mul3A_194 = arith.muli %add3A_176, %mul3A_193 : i32
    %dma_start3A_195 = tpu.memref_slice %arg3[%mul3A_194] : memref<4194304xf32, #tpu.memory_space<hbm>> -> memref<16384xf32, #tpu.memory_space<hbm>>
    %dma_start3A_196 = tpu.memref_slice %arg3[%mul3A_194] : memref<4194304xf32, #tpu.memory_space<hbm>> -> memref<16384xf32, #tpu.memory_space<hbm>>
    tpu.enqueue_dma source(%arg6 : memref<16384xf32, #tpu.memory_space<vmem>>) target(%dma_start3A_196 : memref<16384xf32, #tpu.memory_space<hbm>>) target_semaphore(%arg8 : memref<!tpu.dma_semaphore, #tpu.memory_space<semaphore_mem>>)
    %dma_wait3A_197 = tpu.memref_slice %arg3[%mul3A_170] : memref<4194304xf32, #tpu.memory_space<hbm>> -> memref<16384xf32, #tpu.memory_space<hbm>>
    %dma_wait3A_198 = tpu.memref_slice %arg3[%mul3A_170] : memref<4194304xf32, #tpu.memory_space<hbm>> -> memref<16384xf32, #tpu.memory_space<hbm>>
    tpu.wait_dma2 semaphore(%arg7 : memref<!tpu.dma_semaphore, #tpu.memory_space<semaphore_mem>>) src(%arg5 : memref<16384xf32, #tpu.memory_space<vmem>>) dst(%dma_wait3A_198 : memref<16384xf32, #tpu.memory_space<hbm>>)
    %dma_wait3A_199 = tpu.memref_slice %arg3[%mul3A_194] : memref<4194304xf32, #tpu.memory_space<hbm>> -> memref<16384xf32, #tpu.memory_space<hbm>>
    %dma_wait3A_200 = tpu.memref_slice %arg3[%mul3A_194] : memref<4194304xf32, #tpu.memory_space<hbm>> -> memref<16384xf32, #tpu.memory_space<hbm>>
    tpu.wait_dma2 semaphore(%arg8 : memref<!tpu.dma_semaphore, #tpu.memory_space<semaphore_mem>>) src(%arg6 : memref<16384xf32, #tpu.memory_space<vmem>>) dst(%dma_wait3A_200 : memref<16384xf32, #tpu.memory_space<hbm>>)
    return
  }
}

</mosaic_0001>

<sc_bundles>
// kernel: _sc_histogram.3.cloned.1.call-start
scs
__scs_entry_jumppad:
0x0: {  	(pc) =	sbr.rel $0x88, $3  }
0x1: {  	(tag) =	ssettag $0x0;
	lr =	simm.s32 $0x1  }
0x2: {  	[smem:$0x3FA0] =	sst lr;
	_ =	strace $0xD0000000  }
0x3: {  	_ = 	snop  }
0x4: {  	_ = 	snop  }
0x5: {  	_ = 	snop  }
0x6: {  	_ = 	snop  }
0x7: {  	_ = 	snop  }
__scs_overlays_trampoline_lowered:
0x8: {  	[smem:$0x3FAF] =	sst s0  }
0x9: {  	[smem:$0x3FB0] =	sst s1  }
0xa: {  	[smem:$0x3FB1] =	sst s2  }
0xb: {  	[smem:$0x3FB2] =	sst s3  }
0xc: {  	[smem:$0x3FB3] =	sst s4  }
0xd: {  	[smem:$0x3FB4] =	sst s5  }
0xe: {  	[smem:$0x3FB5] =	sst s6  }
0xf: {  	[smem:$0x3FB6] =	sst s7  }
0x10: {  	[smem:$0x3FB7] =	sst s8  }
0x11: {  	[smem:$0x3FB8] =	sst s9;
	s0 =	simm.s32 @!p0 $0x0  }
0x12: {  	s1 =	sld [smem:$0x3F9E];
	s0 =	simm.s32 @p0 $0x1  }
0x13: {  	[smem:$0x3FB9] =	sst s0;
	s0 =	simm.s32 @!p1 $0x0  }
0x14: {  	s2 =	sld [smem:$0x3F9D];
	s0 =	simm.s32 @p1 $0x1  }
0x15: {  	[smem:$0x3FBA] =	sst s0;
	s0 =	simm.s32 @!p2 $0x0  }
0x16: {  	s3 =	sld [smem:$0x3FDB];
	s0 =	simm.s32 @p2 $0x1  }
0x17: {  	s4 =	simm.s32 $0x1BF5;
	[smem:$0x3FBC] =	sst s0  }
0x18: {  	s0 =	sld [smem:$0x3F9F];
	_ =	swait.ge [sflag:s4], $0x0  }
0x19: {  	s7 =	sld [smem:$0x3FA0]  }
0x1a: {  	s8 =	sadd.s32 $0xFFFFE003, lr  }
0x1b: {  	s9 =	sadd.s32 $0xFFFFFEF7, lr;
	s5 =	simm.s32 $0xFFFFFFFF;
	p2 =	slt.u32 s8, $0xFFFFF086  }
0x1c: {  	p1 =	slt.u32 s9, $0xF7A;
	s5 =	simm.s32 @!p2 $0x0  }
0x1d: {  	s5 =	simm.s32 @p1 $0x1;
	p0 =	seq.s32 s7, s2  }
0x1e: {  	s7 =	smul.u32 @!p0 $0xF7A, s2;
	p2 =	seq.s32 @!p0 s5, $0x0  }
0x1f: {  	s9 =	smul.u32 $0xF7A, s1;
	s8 =	simm.s32 @!p0 $0x1BF5;
	p2 =	por !p2, p0  }
0x20: {  	[sflag:s8] =	ssyncset.s32 @!p0 $0xFFFFF086;
	s6 =	sadd.s32 @!p0 s3, s7;
	s7 =	simm.s32 @!p0 $0x108  }
0x21: {  	s3 =	sadd.s32 s3, s9;
	s6 =	sadd.s32 @!p0 $0x88, s6;
	s7 =	simm.s32 @p2 $0x1082  }
0x22: {  	[simem:s7], [sflag:s8] =	dma.local @!p0 [hbm:s6], $0xF7A  }
0x23: {  	s9 =	sor.u32 $0xD0000000, s2;
	s6 =	simm.s32 $0x108;
	_ =	swait.ge @!p0 [sflag:s8], $0x0  }
0x24: {  	s3 =	sadd.s32 $0x88, s3;
	s6 =	simm.s32 @!p1 $0x1082;
	[sflag:s4] =	ssyncset.s32 $0xFFFFF086  }
0x25: {  	[simem:s6], [sflag:s4] =	dma.local [hbm:s3], $0xF7A  }
0x26: {  	[smem:$0x3FA0] =	sst s1;
	(tag) =	ssettag s2;
	_ =	strace s9  }
0x27: {  	s1 =	sld [smem:$0x3FB0]  }
0x28: {  	s2 =	sld [smem:$0x3FB1]  }
0x29: {  	s4 =	sld [smem:$0x3FB3]  }
0x2a: {  	p0 =	seq.s32 s5, $0x0;
	s5 =	sld [smem:$0x3FB4]  }
0x2b: {  	s6 =	sld [smem:$0x3FB5]  }
0x2c: {  	s7 =	sld [smem:$0x3FB6]  }
0x2d: {  	s3 =	simm.s32 $0x108;
	s8 =	sld [smem:$0x3FB7]  }
0x2e: {  	s3 =	simm.s32 @!p0 $0x1082;
	s9 =	sld [smem:$0x3FB8]  }
0x2f: {  	lr =	sadd.s32 s0, s3;
	s0 =	sld [smem:$0x3FAF]  }
0x30: {  	s3 =	sld [smem:$0x3FB2]  }
0x31: {  	[smem:$0x3FBB] =	sst s10  }
0x32: {  	s10 =	sld [smem:$0x3FB9];
	_ =	sdelay $0x3  }
0x33: {  	p0 =	seq.s32 s10, $0x1;
	s10 =	sld [smem:$0x3FBB];
	_ =	sdelay $0x3  }
0x34: {  	[smem:$0x3FBB] =	sst s10  }
0x35: {  	s10 =	sld [smem:$0x3FBA];
	_ =	sdelay $0x3  }
0x36: {  	p1 =	seq.s32 s10, $0x1;
	s10 =	sld [smem:$0x3FBB];
	_ =	sdelay $0x3  }
0x37: {  	[smem:$0x3FBB] =	sst s10  }
0x38: {  	s10 =	sld [smem:$0x3FBC]  }
0x39: {  	_ = 	snop;
	(pc) =	sbr.ind lr, $3  }
0x3a: {  	_ = 	snop  }
0x3b: {  	_ = 	snop  }
0x3c: {  	p2 =	seq.s32 s10, $0x1;
	s10 =	sld [smem:$0x3FBB]  }
0x3d: {  	_ =	shalt  }
0x3e: {  	_ =	shalt  }
0x3f: {  	_ =	shalt  }
0x40: {  	_ =	shalt  }
0x41: {  	_ =	shalt  }
0x42: {  	_ =	shalt  }
0x43: {  	_ =	shalt  }
0x44: {  	_ =	shalt  }
0x45: {  	_ =	shalt  }
0x46: {  	_ =	shalt  }
0x47: {  	_ =	shalt  }
0x48: {  	_ =	shalt  }
0x49: {  	_ =	shalt  }
0x4a: {  	_ =	shalt  }
0x4b: {  	_ =	shalt  }
0x4c: {  	_ =	shalt  }
0x4d: {  	_ =	shalt  }
0x4e: {  	_ =	shalt  }
0x4f: {  	_ =	shalt  }
0x50: {  	_ =	shalt  }
0x51: {  	_ =	shalt  }
0x52: {  	_ =	shalt  }
0x53: {  	_ =	shalt  }
0x54: {  	_ =	shalt  }
0x55: {  	_ =	shalt  }
0x56: {  	_ =	shalt  }
0x57: {  	_ =	shalt  }
0x58: {  	_ =	shalt  }
0x59: {  	_ =	shalt  }
0x5a: {  	_ =	shalt  }
0x5b: {  	_ =	shalt  }
0x5c: {  	_ =	shalt  }
0x5d: {  	_ =	shalt  }
0x5e: {  	_ =	shalt  }
0x5f: {  	_ =	shalt  }
0x60: {  	_ =	shalt  }
0x61: {  	_ =	shalt  }
0x62: {  	_ =	shalt  }
0x63: {  	_ =	shalt  }
0x64: {  	_ =	shalt  }
0x65: {  	_ =	shalt  }
0x66: {  	_ =	shalt  }
0x67: {  	_ =	shalt  }
0x68: {  	_ =	shalt  }
0x69: {  	_ =	shalt  }
0x6a: {  	_ =	shalt  }
0x6b: {  	_ =	shalt  }
0x6c: {  	_ =	shalt  }
0x6d: {  	_ =	shalt  }
0x6e: {  	_ =	shalt  }
0x6f: {  	_ =	shalt  }
0x70: {  	_ =	shalt  }
0x71: {  	_ =	shalt  }
0x72: {  	_ =	shalt  }
0x73: {  	_ =	shalt  }
0x74: {  	_ =	shalt  }
0x75: {  	_ =	shalt  }
0x76: {  	_ =	shalt  }
0x77: {  	_ =	shalt  }
0x78: {  	_ =	shalt  }
0x79: {  	_ =	shalt  }
0x7a: {  	_ =	shalt  }
0x7b: {  	_ =	shalt  }
0x7c: {  	_ =	shalt  }
0x7d: {  	_ =	shalt  }
0x7e: {  	_ =	shalt  }
0x7f: {  	_ =	shalt  }
0x80: {  	_ =	shalt  }
0x81: {  	_ =	shalt  }
0x82: {  	_ =	shalt  }
0x83: {  	_ =	shalt  }
0x84: {  	_ =	shalt  }
0x85: {  	_ =	shalt  }
0x86: {  	_ =	shalt  }
0x87: {  	_ =	shalt  }
.Lfunc_end0:
.L_simem_size_0:
called_computation_lowered:
.L_overlay_start_0:
0x88: {  	s2 =	sld [smem:$0x3FD9]  }
0x89: {  	s3 =	sld [smem:$0x3FFE];
	_ =	sdelay $0x1  }
0x8a: {  	s1 =	srdreg.scid  }
0x8b: {  	s0 =	sand.u32 $0x1, s1  }
0x8c: {  	s18 =	sshll.u32 s0, $0xA;
	s2 =	sadd.s32 s3, s2  }
0x8d: {  	s2 =	sadd.s32 s2, s18  }
0x8e: {  	[smem:$0x3FC7] =	sst s2  }
0x8f: {  	_ = 	snop  }
0x90: {  	s2 =	sld [smem:$0x3FC9]  }
0x91: {  	s19 =	sld [smem:$0x3FD0];
	(tm) =	ssettm $0x1  }
0x92: {  	s4 =	sld [smem:$0x3FFB];
	_ =	sdelay $0x3  }
0x93: {  	_ =	strace s4  }
0x94: {  	s4 =	sld [smem:$0x3FFC];
	_ =	sdelay $0x3  }
0x95: {  	_ =	strace s4  }
0x96: {  	s4 =	sld [smem:$0x3FFD];
	_ =	sdelay $0x3  }
0x97: {  	_ =	strace s4  }
0x98: {  	_ =	strace $0x8FFFFFFF  }
0x99: {  	s20 =	sld [smem:$0x3FDB];
	_ =	sdelay $0x1  }
0x9a: {  	s5 =	simm.s32 $_scs_section_size  }
0x9b: {  	s6 =	simm.s32 $_size__tile_overlayer_lowered;
	s7 =	simm.s32 $_tile_overlayer_lowered  }
0x9c: {  	s23 =	simm.s32 $0x1BFF;
	s22 =	sshll.u32 s7, $0x1;
	s4 =	sadd.s32 s5, s20  }
0x9d: {  	s8 =	simm.s32 $0x0;
	s21 =	sshll.u32 s6, $0x1;
	s6 =	sadd.s32 s22, s4  }
0x9e: {  	[timem:s8], [sflag:s23] =	dma.local [hbm:s6], s21  }
0x9f: {  	_ =	swait.ge [sflag:s23], s21  }
0xa0: {  	s5 =	ssub.s32 $0x0, s21;
	[sflag:s23] =	ssyncset.done $0x0  }
0xa1: {  	[sflag:s23] =	ssyncadd.s32 s5;
	_ =	sdelay $0x1  }
0xa2: {  	s24 =	simm.s32 $0x1B8B  }
0xa3: {  	_ =	swait.ge [sflag:s24], $0x1  }
0xa4: {  	[sflag:s24] =	ssyncset.done $0x0  }
0xa5: {  	s25 =	simm.s32 $0x1B8E;
	[sflag:s24] =	ssyncadd.s32 $0xFFFFFFFF  }
0xa6: {  	s26 =	simm.s32 $execute0_lowered;
	[smem:$0x3FD2] =	sst s25  }
0xa7: {  	s5 =	sshll.u32 s26, $0x1;
	_ =	strace $0x80000046;
	[dreg:$0x1] =	wrdreg $0xFFFFFFFF  }
0xa8: {  	s28 =	simm.s32 $_size_execute0_lowered;
	s4 =	sadd.s32 s4, s5;
	[dreg:$0x0] =	wrdreg $0x0  }
0xa9: {  	s5 =	sshll.u32 s28, $0x1;
	[dreg:$0x2] =	wrdreg s4  }
0xaa: {  	[dreg:$0x3] =	wrdreg s5  }
0xab: {  	[dreg:$0x4] =	wrdreg $0xC0  }
0xac: {  	_ =	task [dreg:s8], $0x5FFFF  }
0xad: {  	[dreg:$0x1] =	wrdreg $0xFFFFFFFF  }
0xae: {  	[dreg:$0x0] =	wrdreg $0x60  }
0xaf: {  	[dreg:$0x2] =	wrdreg s2  }
0xb0: {  	[dreg:$0x3] =	wrdreg s19  }
0xb1: {  	[dreg:$0x4] =	wrdreg $0x9  }
0xb2: {  	_ =	task.clear_ibuf [dreg:s8], $0x5FFFF;
	_ =	strace $0x90000046  }
0xb3: {  	s29 =	simm.s32 $0x9;
	_ =	strace $0x80000048  }
0xb4: {  	_ =	swait.ge [sflag:s29], $0x1  }
0xb5: {  	[sflag:s29] =	ssyncadd.s32 $0xFFFFFFFF  }
0xb6: {  	_ =	strace $0x90000048  }
0xb7: {  	_ =	sfence  }
0xb8: {  	s30 =	sld [smem:$0x0];
	_ =	sdelay $0x2  }
0xb9: {  	s31 =	sshll.u32 s1, $0xD;
	s1 =	sshrl.u32 s1, $0x2  }
0xba: {  	s3 =	sand.u32 $0x4000, s31;
	s1 =	sadd.s32 s1, s30  }
0xbb: {  	s0 =	sor.u32 s3, s0;
	s1 =	sshll.u32 s1, $0x11  }
0xbc: {  	s0 =	sor.u32 s1, s0  }
0xbd: {  	s0 =	sadd.s32 $0x8F2B, s0  }
0xbe: {  	[sflag:s0] =	ssyncadd.remote.s32 $0x1  }
0xbf: {  	_ =	sfence.sel $0xFFFF  }
0xc0: {  	[dreg:$0x0] =	wrdreg $0xFFFFFFFF;
	(pc) =	sbr.abs _section_cstart, $3  }
0xc1: {  	[dreg:$0x1] =	wrdreg $0xFFFFFFFF  }
0xc2: {  	_ =	task.clear_ibuf [dreg:s8], $0x2FFFF;
	_ =	strace $0x9FFFFFFF  }
0xc3: {  	(tm) =	ssettm $0x7FFFFFFF  }
tec
execute0_lowered:
.L_overlay_start_1:
0x0: {  	(tag) =	ssettag $0x1  }
0x1: {  	s17 =	rddreg [dreg:$0x0]  }
0x2: {  	s18 =	rddreg [dreg:$0x1]  }
0x3: {  	s0 =	rddreg [dreg:$0x2];
	s3 =	srdreg.scid  }
0x4: {  	s1 =	stileid.u32;
	s2 =	simm.s32 $0x0;
	s23 =	simm.s32 $0x1  }
0x5: {  	s24 =	simm.s32 $0x2;
	s3 =	sand.u32 $0x1, s3;
	s4 =	sshll.u32 s1, $0x1  }
0x6: {  	s25 =	simm.s32 $0x0;
	[smem:$0x7FF] =	sst s2;
	s4 =	sor.u32 s3, s4  }
0x7: {  	_ =	strace $0x80000047;
	s3 =	ssub.s32 $0x2, s3;
	s14 =	sshll.u32 s4, $0x7  }
0x8: {  	s5 =	sshrl.u32 s3, $0x1;
	s6 =	smul.u32 $0xC80, s4;
	s4 =	sshll.u32 s4, $0xE  }
0x9: {  	s7 =	sor.u32 $0x10, s14;
	s19 =	ssub.s32 s3, s5;
	s8 =	sor.u32 $0x20, s14  }
0xa: {  	s4 =	sadd.s32 s18, s4;
	s10 =	sor.u32 $0x30, s14;
	s28 =	smul.u32 $0x19, s7  }
0xb: {  	s12 =	sor.u32 $0x40, s14;
	s15 =	sor.u32 $0x50, s14;
	s9 =	smul.u32 $0x19, s8  }
0xc: {  	s16 =	sor.u32 $0x60, s14;
	s21 =	sor.u32 $0x70, s14;
	s30 =	smul.u32 $0x19, s10  }
0xd: {  	s3 =	sadd.s32 s17, s6;
	s29 =	sshll.u32 s7, $0x7;
	s11 =	smul.u32 $0x19, s12  }
0xe: {  	s8 =	sshll.u32 s8, $0x7;
	s10 =	sshll.u32 s10, $0x7;
	s13 =	smul.u32 $0x19, s15  }
0xf: {  	s12 =	sshll.u32 s12, $0x7;
	s15 =	sshll.u32 s15, $0x7;
	s20 =	smul.u32 $0x19, s16  }
0x10: {  	s16 =	sshll.u32 s16, $0x7;
	s22 =	smul.u32 $0x19, s21;
	s31 =	sshll.u32 s21, $0x7  }
0x11: {  	s19 =	smax.u32 s19, $0x1;
	s21 =	simm.s32 $0xC80;
	s6 =	sadd.s32 s18, s29  }
0x12: {  	s8 =	sadd.s32 s18, s8;
	s10 =	sadd.s32 s18, s10;
	s12 =	sadd.s32 s18, s12  }
0x13: {  	s14 =	sadd.s32 s18, s15;
	s16 =	sadd.s32 s18, s16;
	s18 =	sadd.s32 s18, s31  }
0x14: {  	s5 =	sadd.s32 s17, s28;
	s7 =	sadd.s32 s17, s9;
	s9 =	sadd.s32 s17, s30  }
0x15: {  	v0 =	vimm.f32 $0.0e+00;
	v2 =	vlaneseq.u32;
	s11 =	sadd.s32 s17, s11;
	s13 =	sadd.s32 s17, s13;
	s15 =	sadd.s32 s17, s20  }
0x16: {  	v3 =	vimm.f32 $1.000000000e+00;
	v1 =	vmul.u32 $0xC8, v2;
	v2 =	vmul.u32 $0x400, v2;
	s17 =	sadd.s32 s17, s22;
	s20 =	simm.s32 $0x3;
	s22 =	simm.s32 $0x4C80  }
.LBB2_1:
0x17: {  	[tilespmem:s2], [sflag:$0x3] =	stream.linear.gather [hbm4b:s3+s2], $0xC80, $0x38;
	[tilespmem:$0x8C80] =	vst v63  }
0x18: {  	_ =	swait.ge [sflag:s20], $0xC80  }
0x19: {  	[sflag:s20] =	ssyncset.done $0x0  }
0x1a: {  	s26 =	simm.s32 $0x0;
	s28 =	simm.s32 $0x400;
	[sflag:s20] =	ssyncadd.s32 $0xFFFFF380  }
.LBB2_2:
0x1b: {  	p0 =	sne.s32 s28, $0xFC00;
	[tilespmem:s26+$0xD70] =	vst v0  }
0x1c: {  	[tilespmem:s26+$0xC80] =	vst v0  }
0x1d: {  	[tilespmem:s26+$0xC90] =	vst v0  }
0x1e: {  	[tilespmem:s26+$0xCA0] =	vst v0  }
0x1f: {  	[tilespmem:s26+$0xCB0] =	vst v0  }
0x20: {  	[tilespmem:s26+$0xCC0] =	vst v0  }
0x21: {  	[tilespmem:s26+$0xCD0] =	vst v0  }
0x22: {  	[tilespmem:s26+$0xCE0] =	vst v0  }
0x23: {  	[tilespmem:s26+$0xCF0] =	vst v0  }
0x24: {  	[tilespmem:s26+$0xD00] =	vst v0  }
0x25: {  	[tilespmem:s26+$0xD10] =	vst v0  }
.Ltmp0:
0x26: {  	[tilespmem:s26+$0xD20] =	vst v0;
	(pc) =	sbr.rel @p0 .LBB2_2-.Ltmp0, $4  }
0x27: {  	[tilespmem:s26+$0xD30] =	vst v0  }
0x28: {  	[tilespmem:s26+$0xD40] =	vst v0  }
0x29: {  	[tilespmem:s26+$0xD50] =	vst v0  }
0x2a: {  	[tilespmem:s26+$0xD60] =	vst v0;
	s26 =	sshra.s32 s28, $0x2;
	s28 =	sadd.s32 $0x400, s28  }
0x2b: {  	[tilespmem:s26+$0xD70] =	vst v0  }
0x2c: {  	[tilespmem:s26+$0xC80] =	vst v0  }
0x2d: {  	[tilespmem:s26+$0xC90] =	vst v0  }
0x2e: {  	[tilespmem:s26+$0xCA0] =	vst v0  }
0x2f: {  	[tilespmem:s26+$0xCB0] =	vst v0  }
0x30: {  	[tilespmem:s26+$0xCC0] =	vst v0  }
0x31: {  	[tilespmem:s26+$0xCD0] =	vst v0  }
0x32: {  	[tilespmem:s26+$0xCE0] =	vst v0  }
0x33: {  	[tilespmem:s26+$0xCF0] =	vst v0  }
0x34: {  	[tilespmem:s26+$0xD00] =	vst v0  }
0x35: {  	[tilespmem:s26+$0xD10] =	vst v0  }
0x36: {  	[tilespmem:s26+$0xD20] =	vst v0  }
0x37: {  	[tilespmem:s26+$0xD30] =	vst v0  }
0x38: {  	[tilespmem:s26+$0xD40] =	vst v0  }
0x39: {  	[tilespmem:s26+$0xD50] =	vst v0  }
0x3a: {  	[tilespmem:s26+$0xD60] =	vst v0;
	s26 =	simm.s32 $0x3  }
.LBB2_4:
0x3b: {  	s28 =	sadd.s32 $0xFFFFFFFD, s26  }
0x3c: {  	v4 =	vadd.s32 s28, v1;
	_ =	sdelay $0x4  }
0x3d: {  	v4 =	vld.idx.msk [tilespmem:v4+s2+$0x0], $0xffff;
	_ =	sdelay $0x4  }
0x3e: {  	v4 =	vand.u32 $0x3FF, v4  }
0x3f: {  	s30 =	sadd.s32 $0xFFFFFFFE, s26;
	v4 =	vor.u32 v2, v4  }
0x40: {  	v5 =	vadd.s32 s30, v1;
	_ =	sdelay $0x3  }
0x41: {  	[tilespmem:v4+s21+$0x0] =	vst.idx.add.f32.msk $0xffff, v3  }
0x42: {  	v4 =	vld.idx.msk [tilespmem:v5+s2+$0x0], $0xffff;
	_ =	sdelay $0x4  }
0x43: {  	v4 =	vand.u32 $0x3FF, v4  }
0x44: {  	s31 =	sadd.s32 $0xFFFFFFFF, s26;
	v4 =	vor.u32 v2, v4  }
0x45: {  	v5 =	vadd.s32 s31, v1;
	_ =	sdelay $0x3  }
0x46: {  	[tilespmem:v4+s21+$0x0] =	vst.idx.add.f32.msk $0xffff, v3  }
0x47: {  	v4 =	vld.idx.msk [tilespmem:v5+s2+$0x0], $0xffff;
	_ =	sdelay $0x4  }
0x48: {  	v4 =	vand.u32 $0x3FF, v4  }
0x49: {  	v4 =	vor.u32 v2, v4  }
0x4a: {  	v5 =	vadd.s32 s26, v1;
	_ =	sdelay $0x3  }
0x4b: {  	[tilespmem:v4+s21+$0x0] =	vst.idx.add.f32.msk $0xffff, v3  }
0x4c: {  	v4 =	vld.idx.msk [tilespmem:v5+s2+$0x0], $0xffff;
	_ =	sdelay $0x4  }
0x4d: {  	v4 =	vand.u32 $0x3FF, v4  }
0x4e: {  	p0 =	sne.s32 s26, $0xC7;
	v4 =	vor.u32 v2, v4  }
.Ltmp1:
0x4f: {  	_ = 	snop;
	(pc) =	sbr.rel @p0 .LBB2_4-.Ltmp1, $2  }
0x50: {  	_ =	sdelay $0x2  }
0x51: {  	s26 =	sadd.s32 $0x4, s26;
	[tilespmem:v4+s21+$0x0] =	vst.idx.add.f32.msk $0xffff, v3  }
0x52: {  	s26 =	simm.s32 $0x0  }
0x53: {  	[hbm4b:s4+s26] =	stream.linear.scatter [tilespmem:s21], [sflag:$0x1], $0x4000, $0x38;
	[tilespmem:$0x8C80] =	vst v63  }
0x54: {  	_ = 	snop  }
0x55: {  	[tilespmem:s26], [sflag:$0x3] =	stream.linear.gather [hbm4b:s5+s26], $0xC80, $0x38;
	[tilespmem:$0x8C80] =	vst v63  }
0x56: {  	_ =	swait.ge [sflag:s20], $0xC80  }
0x57: {  	[sflag:s20] =	ssyncset.done $0x0  }
0x58: {  	s28 =	simm.s32 $0x400;
	s26 =	simm.s32 $0x0;
	[sflag:s20] =	ssyncadd.s32 $0xFFFFF380  }
.LBB2_6:
0x59: {  	p0 =	sne.s32 s28, $0xFC00;
	[tilespmem:s26+$0x4D70] =	vst v0  }
0x5a: {  	[tilespmem:s26+$0x4C80] =	vst v0  }
0x5b: {  	[tilespmem:s26+$0x4C90] =	vst v0  }
0x5c: {  	[tilespmem:s26+$0x4CA0] =	vst v0  }
0x5d: {  	[tilespmem:s26+$0x4CB0] =	vst v0  }
0x5e: {  	[tilespmem:s26+$0x4CC0] =	vst v0  }
0x5f: {  	[tilespmem:s26+$0x4CD0] =	vst v0  }
0x60: {  	[tilespmem:s26+$0x4CE0] =	vst v0  }
0x61: {  	[tilespmem:s26+$0x4CF0] =	vst v0  }
0x62: {  	[tilespmem:s26+$0x4D00] =	vst v0  }
0x63: {  	[tilespmem:s26+$0x4D10] =	vst v0  }
.Ltmp2:
0x64: {  	[tilespmem:s26+$0x4D20] =	vst v0;
	(pc) =	sbr.rel @p0 .LBB2_6-.Ltmp2, $4  }
0x65: {  	[tilespmem:s26+$0x4D30] =	vst v0  }
0x66: {  	[tilespmem:s26+$0x4D40] =	vst v0  }
0x67: {  	[tilespmem:s26+$0x4D50] =	vst v0  }
0x68: {  	[tilespmem:s26+$0x4D60] =	vst v0;
	s26 =	sshra.s32 s28, $0x2;
	s28 =	sadd.s32 $0x400, s28  }
0x69: {  	[tilespmem:s26+$0x4D70] =	vst v0  }
0x6a: {  	[tilespmem:s26+$0x4C80] =	vst v0  }
0x6b: {  	[tilespmem:s26+$0x4C90] =	vst v0  }
0x6c: {  	[tilespmem:s26+$0x4CA0] =	vst v0  }
0x6d: {  	[tilespmem:s26+$0x4CB0] =	vst v0  }
0x6e: {  	[tilespmem:s26+$0x4CC0] =	vst v0  }
0x6f: {  	[tilespmem:s26+$0x4CD0] =	vst v0  }
0x70: {  	[tilespmem:s26+$0x4CE0] =	vst v0  }
0x71: {  	[tilespmem:s26+$0x4CF0] =	vst v0  }
0x72: {  	[tilespmem:s26+$0x4D00] =	vst v0  }
0x73: {  	[tilespmem:s26+$0x4D10] =	vst v0  }
0x74: {  	[tilespmem:s26+$0x4D20] =	vst v0  }
0x75: {  	[tilespmem:s26+$0x4D30] =	vst v0  }
0x76: {  	[tilespmem:s26+$0x4D40] =	vst v0  }
0x77: {  	[tilespmem:s26+$0x4D50] =	vst v0  }
0x78: {  	[tilespmem:s26+$0x4D60] =	vst v0;
	s26 =	simm.s32 $0x3  }
.LBB2_8:
0x79: {  	s28 =	sadd.s32 $0xFFFFFFFD, s26  }
0x7a: {  	v4 =	vadd.s32 s28, v1;
	_ =	sdelay $0x4  }
0x7b: {  	v4 =	vld.idx.msk [tilespmem:v4+s2+$0x0], $0xffff;
	_ =	sdelay $0x4  }
0x7c: {  	v4 =	vand.u32 $0x3FF, v4  }
0x7d: {  	s30 =	sadd.s32 $0xFFFFFFFE, s26;
	v4 =	vor.u32 v2, v4  }
0x7e: {  	v5 =	vadd.s32 s30, v1;
	_ =	sdelay $0x3  }
0x7f: {  	[tilespmem:v4+s22+$0x0] =	vst.idx.add.f32.msk $0xffff, v3  }
0x80: {  	v4 =	vld.idx.msk [tilespmem:v5+s2+$0x0], $0xffff;
	_ =	sdelay $0x4  }
0x81: {  	v4 =	vand.u32 $0x3FF, v4  }
0x82: {  	s31 =	sadd.s32 $0xFFFFFFFF, s26;
	v4 =	vor.u32 v2, v4  }
0x83: {  	v5 =	vadd.s32 s31, v1;
	_ =	sdelay $0x3  }
0x84: {  	[tilespmem:v4+s22+$0x0] =	vst.idx.add.f32.msk $0xffff, v3  }
0x85: {  	v4 =	vld.idx.msk [tilespmem:v5+s2+$0x0], $0xffff;
	_ =	sdelay $0x4  }
0x86: {  	v4 =	vand.u32 $0x3FF, v4  }
0x87: {  	v4 =	vor.u32 v2, v4  }
0x88: {  	v5 =	vadd.s32 s26, v1;
	_ =	sdelay $0x3  }
0x89: {  	[tilespmem:v4+s22+$0x0] =	vst.idx.add.f32.msk $0xffff, v3  }
0x8a: {  	v4 =	vld.idx.msk [tilespmem:v5+s2+$0x0], $0xffff;
	_ =	sdelay $0x4  }
0x8b: {  	v4 =	vand.u32 $0x3FF, v4  }
0x8c: {  	p0 =	sne.s32 s26, $0xC7;
	v4 =	vor.u32 v2, v4  }
.Ltmp3:
0x8d: {  	_ = 	snop;
	(pc) =	sbr.rel @p0 .LBB2_8-.Ltmp3, $2  }
0x8e: {  	_ =	sdelay $0x2  }
0x8f: {  	s26 =	sadd.s32 $0x4, s26;
	[tilespmem:v4+s22+$0x0] =	vst.idx.add.f32.msk $0xffff, v3  }
0x90: {  	s26 =	simm.s32 $0x0  }
0x91: {  	[hbm4b:s6+s26] =	stream.linear.scatter [tilespmem:s22], [sflag:$0x2], $0x4000, $0x38;
	[tilespmem:$0x8C80] =	vst v63  }
0x92: {  	_ =	swait.ge [sflag:s23], $0x4000  }
0x93: {  	[sflag:s23] =	ssyncset.done $0x0  }
0x94: {  	[sflag:s23] =	ssyncadd.s32 $0xFFFFC000  }
0x95: {  	[tilespmem:s26], [sflag:$0x3] =	stream.linear.gather [hbm4b:s7+s26], $0xC80, $0x38;
	[tilespmem:$0x8C80] =	vst v63  }
0x96: {  	_ =	swait.ge [sflag:s20], $0xC80  }
0x97: {  	[sflag:s20] =	ssyncset.done $0x0  }
0x98: {  	s28 =	simm.s32 $0x400;
	s26 =	simm.s32 $0x0;
	[sflag:s20] =	ssyncadd.s32 $0xFFFFF380  }
.LBB2_10:
0x99: {  	p0 =	sne.s32 s28, $0xFC00;
	[tilespmem:s26+$0xD70] =	vst v0  }
0x9a: {  	[tilespmem:s26+$0xC80] =	vst v0  }
0x9b: {  	[tilespmem:s26+$0xC90] =	vst v0  }
0x9c: {  	[tilespmem:s26+$0xCA0] =	vst v0  }
0x9d: {  	[tilespmem:s26+$0xCB0] =	vst v0  }
0x9e: {  	[tilespmem:s26+$0xCC0] =	vst v0  }
0x9f: {  	[tilespmem:s26+$0xCD0] =	vst v0  }
0xa0: {  	[tilespmem:s26+$0xCE0] =	vst v0  }
0xa1: {  	[tilespmem:s26+$0xCF0] =	vst v0  }
0xa2: {  	[tilespmem:s26+$0xD00] =	vst v0  }
0xa3: {  	[tilespmem:s26+$0xD10] =	vst v0  }
.Ltmp4:
0xa4: {  	[tilespmem:s26+$0xD20] =	vst v0;
	(pc) =	sbr.rel @p0 .LBB2_10-.Ltmp4, $4  }
0xa5: {  	[tilespmem:s26+$0xD30] =	vst v0  }
0xa6: {  	[tilespmem:s26+$0xD40] =	vst v0  }
0xa7: {  	[tilespmem:s26+$0xD50] =	vst v0  }
0xa8: {  	[tilespmem:s26+$0xD60] =	vst v0;
	s26 =	sshra.s32 s28, $0x2;
	s28 =	sadd.s32 $0x400, s28  }
0xa9: {  	[tilespmem:s26+$0xD70] =	vst v0  }
0xaa: {  	[tilespmem:s26+$0xC80] =	vst v0  }
0xab: {  	[tilespmem:s26+$0xC90] =	vst v0  }
0xac: {  	[tilespmem:s26+$0xCA0] =	vst v0  }
0xad: {  	[tilespmem:s26+$0xCB0] =	vst v0  }
0xae: {  	[tilespmem:s26+$0xCC0] =	vst v0  }
0xaf: {  	[tilespmem:s26+$0xCD0] =	vst v0  }
0xb0: {  	[tilespmem:s26+$0xCE0] =	vst v0  }
0xb1: {  	[tilespmem:s26+$0xCF0] =	vst v0  }
0xb2: {  	[tilespmem:s26+$0xD00] =	vst v0  }
0xb3: {  	[tilespmem:s26+$0xD10] =	vst v0  }
0xb4: {  	[tilespmem:s26+$0xD20] =	vst v0  }
0xb5: {  	[tilespmem:s26+$0xD30] =	vst v0  }
0xb6: {  	[tilespmem:s26+$0xD40] =	vst v0  }
0xb7: {  	[tilespmem:s26+$0xD50] =	vst v0  }
0xb8: {  	[tilespmem:s26+$0xD60] =	vst v0;
	s26 =	simm.s32 $0x3  }
.LBB2_12:
0xb9: {  	s28 =	sadd.s32 $0xFFFFFFFD, s26  }
0xba: {  	v4 =	vadd.s32 s28, v1;
	_ =	sdelay $0x4  }
0xbb: {  	v4 =	vld.idx.msk [tilespmem:v4+s2+$0x0], $0xffff;
	_ =	sdelay $0x4  }
0xbc: {  	v4 =	vand.u32 $0x3FF, v4  }
0xbd: {  	s30 =	sadd.s32 $0xFFFFFFFE, s26;
	v4 =	vor.u32 v2, v4  }
0xbe: {  	v5 =	vadd.s32 s30, v1;
	_ =	sdelay $0x3  }
0xbf: {  	[tilespmem:v4+s21+$0x0] =	vst.idx.add.f32.msk $0xffff, v3  }
0xc0: {  	v4 =	vld.idx.msk [tilespmem:v5+s2+$0x0], $0xffff;
	_ =	sdelay $0x4  }
0xc1: {  	v4 =	vand.u32 $0x3FF, v4  }
0xc2: {  	s31 =	sadd.s32 $0xFFFFFFFF, s26;
	v4 =	vor.u32 v2, v4  }
0xc3: {  	v5 =	vadd.s32 s31, v1;
	_ =	sdelay $0x3  }
0xc4: {  	[tilespmem:v4+s21+$0x0] =	vst.idx.add.f32.msk $0xffff, v3  }
0xc5: {  	v4 =	vld.idx.msk [tilespmem:v5+s2+$0x0], $0xffff;
	_ =	sdelay $0x4  }
0xc6: {  	v4 =	vand.u32 $0x3FF, v4  }
0xc7: {  	v4 =	vor.u32 v2, v4  }
0xc8: {  	v5 =	vadd.s32 s26, v1;
	_ =	sdelay $0x3  }
0xc9: {  	[tilespmem:v4+s21+$0x0] =	vst.idx.add.f32.msk $0xffff, v3  }
0xca: {  	v4 =	vld.idx.msk [tilespmem:v5+s2+$0x0], $0xffff;
	_ =	sdelay $0x4  }
0xcb: {  	v4 =	vand.u32 $0x3FF, v4  }
0xcc: {  	p0 =	sne.s32 s26, $0xC7;
	v4 =	vor.u32 v2, v4  }
.Ltmp5:
0xcd: {  	_ = 	snop;
	(pc) =	sbr.rel @p0 .LBB2_12-.Ltmp5, $2  }
0xce: {  	_ =	sdelay $0x2  }
0xcf: {  	s26 =	sadd.s32 $0x4, s26;
	[tilespmem:v4+s21+$0x0] =	vst.idx.add.f32.msk $0xffff, v3  }
0xd0: {  	s26 =	simm.s32 $0x0  }
0xd1: {  	[hbm4b:s8+s26] =	stream.linear.scatter [tilespmem:s21], [sflag:$0x1], $0x4000, $0x38;
	[tilespmem:$0x8C80] =	vst v63  }
0xd2: {  	_ =	swait.ge [sflag:s24], $0x4000  }
0xd3: {  	[sflag:s24] =	ssyncset.done $0x0  }
0xd4: {  	[sflag:s24] =	ssyncadd.s32 $0xFFFFC000  }
0xd5: {  	[tilespmem:s26], [sflag:$0x3] =	stream.linear.gather [hbm4b:s9+s26], $0xC80, $0x38;
	[tilespmem:$0x8C80] =	vst v63  }
0xd6: {  	_ =	swait.ge [sflag:s20], $0xC80  }
0xd7: {  	[sflag:s20] =	ssyncset.done $0x0  }
0xd8: {  	s28 =	simm.s32 $0x400;
	s26 =	simm.s32 $0x0;
	[sflag:s20] =	ssyncadd.s32 $0xFFFFF380  }
.LBB2_14:
0xd9: {  	p0 =	sne.s32 s28, $0xFC00;
	[tilespmem:s26+$0x4D70] =	vst v0  }
0xda: {  	[tilespmem:s26+$0x4C80] =	vst v0  }
0xdb: {  	[tilespmem:s26+$0x4C90] =	vst v0  }
0xdc: {  	[tilespmem:s26+$0x4CA0] =	vst v0  }
0xdd: {  	[tilespmem:s26+$0x4CB0] =	vst v0  }
0xde: {  	[tilespmem:s26+$0x4CC0] =	vst v0  }
0xdf: {  	[tilespmem:s26+$0x4CD0] =	vst v0  }
0xe0: {  	[tilespmem:s26+$0x4CE0] =	vst v0  }
0xe1: {  	[tilespmem:s26+$0x4CF0] =	vst v0  }
0xe2: {  	[tilespmem:s26+$0x4D00] =	vst v0  }
0xe3: {  	[tilespmem:s26+$0x4D10] =	vst v0  }
.Ltmp6:
0xe4: {  	[tilespmem:s26+$0x4D20] =	vst v0;
	(pc) =	sbr.rel @p0 .LBB2_14-.Ltmp6, $4  }
0xe5: {  	[tilespmem:s26+$0x4D30] =	vst v0  }
0xe6: {  	[tilespmem:s26+$0x4D40] =	vst v0  }
0xe7: {  	[tilespmem:s26+$0x4D50] =	vst v0  }
0xe8: {  	[tilespmem:s26+$0x4D60] =	vst v0;
	s26 =	sshra.s32 s28, $0x2;
	s28 =	sadd.s32 $0x400, s28  }
0xe9: {  	[tilespmem:s26+$0x4D70] =	vst v0  }
0xea: {  	[tilespmem:s26+$0x4C80] =	vst v0  }
0xeb: {  	[tilespmem:s26+$0x4C90] =	vst v0  }
0xec: {  	[tilespmem:s26+$0x4CA0] =	vst v0  }
0xed: {  	[tilespmem:s26+$0x4CB0] =	vst v0  }
0xee: {  	[tilespmem:s26+$0x4CC0] =	vst v0  }
0xef: {  	[tilespmem:s26+$0x4CD0] =	vst v0  }
0xf0: {  	[tilespmem:s26+$0x4CE0] =	vst v0  }
0xf1: {  	[tilespmem:s26+$0x4CF0] =	vst v0  }
0xf2: {  	[tilespmem:s26+$0x4D00] =	vst v0  }
0xf3: {  	[tilespmem:s26+$0x4D10] =	vst v0  }
0xf4: {  	[tilespmem:s26+$0x4D20] =	vst v0  }
0xf5: {  	[tilespmem:s26+$0x4D30] =	vst v0  }
0xf6: {  	[tilespmem:s26+$0x4D40] =	vst v0  }
0xf7: {  	[tilespmem:s26+$0x4D50] =	vst v0  }
0xf8: {  	[tilespmem:s26+$0x4D60] =	vst v0;
	s26 =	simm.s32 $0x3  }
.LBB2_16:
0xf9: {  	s28 =	sadd.s32 $0xFFFFFFFD, s26  }
0xfa: {  	v4 =	vadd.s32 s28, v1;
	_ =	sdelay $0x4  }
0xfb: {  	v4 =	vld.idx.msk [tilespmem:v4+s2+$0x0], $0xffff;
	_ =	sdelay $0x4  }
0xfc: {  	v4 =	vand.u32 $0x3FF, v4  }
0xfd: {  	s30 =	sadd.s32 $0xFFFFFFFE, s26;
	v4 =	vor.u32 v2, v4  }
0xfe: {  	v5 =	vadd.s32 s30, v1;
	_ =	sdelay $0x3  }
0xff: {  	[tilespmem:v4+s22+$0x0] =	vst.idx.add.f32.msk $0xffff, v3  }
0x100: {  	v4 =	vld.idx.msk [tilespmem:v5+s2+$0x0], $0xffff;
	_ =	sdelay $0x4  }
0x101: {  	v4 =	vand.u32 $0x3FF, v4  }
0x102: {  	s31 =	sadd.s32 $0xFFFFFFFF, s26;
	v4 =	vor.u32 v2, v4  }
0x103: {  	v5 =	vadd.s32 s31, v1;
	_ =	sdelay $0x3  }
0x104: {  	[tilespmem:v4+s22+$0x0] =	vst.idx.add.f32.msk $0xffff, v3  }
0x105: {  	v4 =	vld.idx.msk [tilespmem:v5+s2+$0x0], $0xffff;
	_ =	sdelay $0x4  }
0x106: {  	v4 =	vand.u32 $0x3FF, v4  }
0x107: {  	v4 =	vor.u32 v2, v4  }
0x108: {  	v5 =	vadd.s32 s26, v1;
	_ =	sdelay $0x3  }
0x109: {  	[tilespmem:v4+s22+$0x0] =	vst.idx.add.f32.msk $0xffff, v3  }
0x10a: {  	v4 =	vld.idx.msk [tilespmem:v5+s2+$0x0], $0xffff;
	_ =	sdelay $0x4  }
0x10b: {  	v4 =	vand.u32 $0x3FF, v4  }
0x10c: {  	p0 =	sne.s32 s26, $0xC7;
	v4 =	vor.u32 v2, v4  }
.Ltmp7:
0x10d: {  	_ = 	snop;
	(pc) =	sbr.rel @p0 .LBB2_16-.Ltmp7, $2  }
0x10e: {  	_ =	sdelay $0x2  }
0x10f: {  	s26 =	sadd.s32 $0x4, s26;
	[tilespmem:v4+s22+$0x0] =	vst.idx.add.f32.msk $0xffff, v3  }
0x110: {  	s26 =	simm.s32 $0x0  }
0x111: {  	[hbm4b:s10+s26] =	stream.linear.scatter [tilespmem:s22], [sflag:$0x2], $0x4000, $0x38;
	[tilespmem:$0x8C80] =	vst v63  }
0x112: {  	_ =	swait.ge [sflag:s23], $0x4000  }
0x113: {  	[sflag:s23] =	ssyncset.done $0x0  }
0x114: {  	[sflag:s23] =	ssyncadd.s32 $0xFFFFC000  }
0x115: {  	[tilespmem:s26], [sflag:$0x3] =	stream.linear.gather [hbm4b:s11+s26], $0xC80, $0x38;
	[tilespmem:$0x8C80] =	vst v63  }
0x116: {  	_ =	swait.ge [sflag:s20], $0xC80  }
0x117: {  	[sflag:s20] =	ssyncset.done $0x0  }
0x118: {  	s28 =	simm.s32 $0x400;
	s26 =	simm.s32 $0x0;
	[sflag:s20] =	ssyncadd.s32 $0xFFFFF380  }
.LBB2_18:
0x119: {  	p0 =	sne.s32 s28, $0xFC00;
	[tilespmem:s26+$0xD70] =	vst v0  }
0x11a: {  	[tilespmem:s26+$0xC80] =	vst v0  }
0x11b: {  	[tilespmem:s26+$0xC90] =	vst v0  }
0x11c: {  	[tilespmem:s26+$0xCA0] =	vst v0  }
0x11d: {  	[tilespmem:s26+$0xCB0] =	vst v0  }
0x11e: {  	[tilespmem:s26+$0xCC0] =	vst v0  }
0x11f: {  	[tilespmem:s26+$0xCD0] =	vst v0  }
0x120: {  	[tilespmem:s26+$0xCE0] =	vst v0  }
0x121: {  	[tilespmem:s26+$0xCF0] =	vst v0  }
0x122: {  	[tilespmem:s26+$0xD00] =	vst v0  }
0x123: {  	[tilespmem:s26+$0xD10] =	vst v0  }
.Ltmp8:
0x124: {  	[tilespmem:s26+$0xD20] =	vst v0;
	(pc) =	sbr.rel @p0 .LBB2_18-.Ltmp8, $4  }
0x125: {  	[tilespmem:s26+$0xD30] =	vst v0  }
0x126: {  	[tilespmem:s26+$0xD40] =	vst v0  }
0x127: {  	[tilespmem:s26+$0xD50] =	vst v0  }
0x128: {  	[tilespmem:s26+$0xD60] =	vst v0;
	s26 =	sshra.s32 s28, $0x2;
	s28 =	sadd.s32 $0x400, s28  }
0x129: {  	[tilespmem:s26+$0xD70] =	vst v0  }
0x12a: {  	[tilespmem:s26+$0xC80] =	vst v0  }
0x12b: {  	[tilespmem:s26+$0xC90] =	vst v0  }
0x12c: {  	[tilespmem:s26+$0xCA0] =	vst v0  }
0x12d: {  	[tilespmem:s26+$0xCB0] =	vst v0  }
0x12e: {  	[tilespmem:s26+$0xCC0] =	vst v0  }
0x12f: {  	[tilespmem:s26+$0xCD0] =	vst v0  }
0x130: {  	[tilespmem:s26+$0xCE0] =	vst v0  }
0x131: {  	[tilespmem:s26+$0xCF0] =	vst v0  }
0x132: {  	[tilespmem:s26+$0xD00] =	vst v0  }
0x133: {  	[tilespmem:s26+$0xD10] =	vst v0  }
0x134: {  	[tilespmem:s26+$0xD20] =	vst v0  }
0x135: {  	[tilespmem:s26+$0xD30] =	vst v0  }
0x136: {  	[tilespmem:s26+$0xD40] =	vst v0  }
0x137: {  	[tilespmem:s26+$0xD50] =	vst v0  }
0x138: {  	[tilespmem:s26+$0xD60] =	vst v0;
	s26 =	simm.s32 $0x3  }
.LBB2_20:
0x139: {  	s28 =	sadd.s32 $0xFFFFFFFD, s26  }
0x13a: {  	v4 =	vadd.s32 s28, v1;
	_ =	sdelay $0x4  }
0x13b: {  	v4 =	vld.idx.msk [tilespmem:v4+s2+$0x0], $0xffff;
	_ =	sdelay $0x4  }
0x13c: {  	v4 =	vand.u32 $0x3FF, v4  }
0x13d: {  	s30 =	sadd.s32 $0xFFFFFFFE, s26;
	v4 =	vor.u32 v2, v4  }
0x13e: {  	v5 =	vadd.s32 s30, v1;
	_ =	sdelay $0x3  }
0x13f: {  	[tilespmem:v4+s21+$0x0] =	vst.idx.add.f32.msk $0xffff, v3  }
0x140: {  	v4 =	vld.idx.msk [tilespmem:v5+s2+$0x0], $0xffff;
	_ =	sdelay $0x4  }
0x141: {  	v4 =	vand.u32 $0x3FF, v4  }
0x142: {  	s31 =	sadd.s32 $0xFFFFFFFF, s26;
	v4 =	vor.u32 v2, v4  }
0x143: {  	v5 =	vadd.s32 s31, v1;
	_ =	sdelay $0x3  }
0x144: {  	[tilespmem:v4+s21+$0x0] =	vst.idx.add.f32.msk $0xffff, v3  }
0x145: {  	v4 =	vld.idx.msk [tilespmem:v5+s2+$0x0], $0xffff;
	_ =	sdelay $0x4  }
0x146: {  	v4 =	vand.u32 $0x3FF, v4  }
0x147: {  	v4 =	vor.u32 v2, v4  }
0x148: {  	v5 =	vadd.s32 s26, v1;
	_ =	sdelay $0x3  }
0x149: {  	[tilespmem:v4+s21+$0x0] =	vst.idx.add.f32.msk $0xffff, v3  }
0x14a: {  	v4 =	vld.idx.msk [tilespmem:v5+s2+$0x0], $0xffff;
	_ =	sdelay $0x4  }
0x14b: {  	v4 =	vand.u32 $0x3FF, v4  }
0x14c: {  	p0 =	sne.s32 s26, $0xC7;
	v4 =	vor.u32 v2, v4  }
.Ltmp9:
0x14d: {  	_ = 	snop;
	(pc) =	sbr.rel @p0 .LBB2_20-.Ltmp9, $2  }
0x14e: {  	_ =	sdelay $0x2  }
0x14f: {  	s26 =	sadd.s32 $0x4, s26;
	[tilespmem:v4+s21+$0x0] =	vst.idx.add.f32.msk $0xffff, v3  }
0x150: {  	s26 =	simm.s32 $0x0  }
0x151: {  	[hbm4b:s12+s26] =	stream.linear.scatter [tilespmem:s21], [sflag:$0x1], $0x4000, $0x38;
	[tilespmem:$0x8C80] =	vst v63  }
0x152: {  	_ =	swait.ge [sflag:s24], $0x4000  }
0x153: {  	[sflag:s24] =	ssyncset.done $0x0  }
0x154: {  	[sflag:s24] =	ssyncadd.s32 $0xFFFFC000  }
0x155: {  	[tilespmem:s26], [sflag:$0x3] =	stream.linear.gather [hbm4b:s13+s26], $0xC80, $0x38;
	[tilespmem:$0x8C80] =	vst v63  }
0x156: {  	_ =	swait.ge [sflag:s20], $0xC80  }
0x157: {  	[sflag:s20] =	ssyncset.done $0x0  }
0x158: {  	s28 =	simm.s32 $0x400;
	s26 =	simm.s32 $0x0;
	[sflag:s20] =	ssyncadd.s32 $0xFFFFF380  }
.LBB2_22:
0x159: {  	p0 =	sne.s32 s28, $0xFC00;
	[tilespmem:s26+$0x4D70] =	vst v0  }
0x15a: {  	[tilespmem:s26+$0x4C80] =	vst v0  }
0x15b: {  	[tilespmem:s26+$0x4C90] =	vst v0  }
0x15c: {  	[tilespmem:s26+$0x4CA0] =	vst v0  }
0x15d: {  	[tilespmem:s26+$0x4CB0] =	vst v0  }
0x15e: {  	[tilespmem:s26+$0x4CC0] =	vst v0  }
0x15f: {  	[tilespmem:s26+$0x4CD0] =	vst v0  }
0x160: {  	[tilespmem:s26+$0x4CE0] =	vst v0  }
0x161: {  	[tilespmem:s26+$0x4CF0] =	vst v0  }
0x162: {  	[tilespmem:s26+$0x4D00] =	vst v0  }
0x163: {  	[tilespmem:s26+$0x4D10] =	vst v0  }
.Ltmp10:
0x164: {  	[tilespmem:s26+$0x4D20] =	vst v0;
	(pc) =	sbr.rel @p0 .LBB2_22-.Ltmp10, $4  }
0x165: {  	[tilespmem:s26+$0x4D30] =	vst v0  }
0x166: {  	[tilespmem:s26+$0x4D40] =	vst v0  }
0x167: {  	[tilespmem:s26+$0x4D50] =	vst v0  }
0x168: {  	[tilespmem:s26+$0x4D60] =	vst v0;
	s26 =	sshra.s32 s28, $0x2;
	s28 =	sadd.s32 $0x400, s28  }
0x169: {  	[tilespmem:s26+$0x4D70] =	vst v0  }
0x16a: {  	[tilespmem:s26+$0x4C80] =	vst v0  }
0x16b: {  	[tilespmem:s26+$0x4C90] =	vst v0  }
0x16c: {  	[tilespmem:s26+$0x4CA0] =	vst v0  }
0x16d: {  	[tilespmem:s26+$0x4CB0] =	vst v0  }
0x16e: {  	[tilespmem:s26+$0x4CC0] =	vst v0  }
0x16f: {  	[tilespmem:s26+$0x4CD0] =	vst v0  }
0x170: {  	[tilespmem:s26+$0x4CE0] =	vst v0  }
0x171: {  	[tilespmem:s26+$0x4CF0] =	vst v0  }
0x172: {  	[tilespmem:s26+$0x4D00] =	vst v0  }
0x173: {  	[tilespmem:s26+$0x4D10] =	vst v0  }
0x174: {  	[tilespmem:s26+$0x4D20] =	vst v0  }
0x175: {  	[tilespmem:s26+$0x4D30] =	vst v0  }
0x176: {  	[tilespmem:s26+$0x4D40] =	vst v0  }
0x177: {  	[tilespmem:s26+$0x4D50] =	vst v0  }
0x178: {  	[tilespmem:s26+$0x4D60] =	vst v0;
	s26 =	simm.s32 $0x3  }
.LBB2_24:
0x179: {  	s28 =	sadd.s32 $0xFFFFFFFD, s26  }
0x17a: {  	v4 =	vadd.s32 s28, v1;
	_ =	sdelay $0x4  }
0x17b: {  	v4 =	vld.idx.msk [tilespmem:v4+s2+$0x0], $0xffff;
	_ =	sdelay $0x4  }
0x17c: {  	v4 =	vand.u32 $0x3FF, v4  }
0x17d: {  	s30 =	sadd.s32 $0xFFFFFFFE, s26;
	v4 =	vor.u32 v2, v4  }
0x17e: {  	v5 =	vadd.s32 s30, v1;
	_ =	sdelay $0x3  }
0x17f: {  	[tilespmem:v4+s22+$0x0] =	vst.idx.add.f32.msk $0xffff, v3  }
0x180: {  	v4 =	vld.idx.msk [tilespmem:v5+s2+$0x0], $0xffff;
	_ =	sdelay $0x4  }
0x181: {  	v4 =	vand.u32 $0x3FF, v4  }
0x182: {  	s31 =	sadd.s32 $0xFFFFFFFF, s26;
	v4 =	vor.u32 v2, v4  }
0x183: {  	v5 =	vadd.s32 s31, v1;
	_ =	sdelay $0x3  }
0x184: {  	[tilespmem:v4+s22+$0x0] =	vst.idx.add.f32.msk $0xffff, v3  }
0x185: {  	v4 =	vld.idx.msk [tilespmem:v5+s2+$0x0], $0xffff;
	_ =	sdelay $0x4  }
0x186: {  	v4 =	vand.u32 $0x3FF, v4  }
0x187: {  	v4 =	vor.u32 v2, v4  }
0x188: {  	v5 =	vadd.s32 s26, v1;
	_ =	sdelay $0x3  }
0x189: {  	[tilespmem:v4+s22+$0x0] =	vst.idx.add.f32.msk $0xffff, v3  }
0x18a: {  	v4 =	vld.idx.msk [tilespmem:v5+s2+$0x0], $0xffff;
	_ =	sdelay $0x4  }
0x18b: {  	v4 =	vand.u32 $0x3FF, v4  }
0x18c: {  	p0 =	sne.s32 s26, $0xC7;
	v4 =	vor.u32 v2, v4  }
.Ltmp11:
0x18d: {  	_ = 	snop;
	(pc) =	sbr.rel @p0 .LBB2_24-.Ltmp11, $2  }
0x18e: {  	_ =	sdelay $0x2  }
0x18f: {  	s26 =	sadd.s32 $0x4, s26;
	[tilespmem:v4+s22+$0x0] =	vst.idx.add.f32.msk $0xffff, v3  }
0x190: {  	s26 =	simm.s32 $0x0  }
0x191: {  	[hbm4b:s14+s26] =	stream.linear.scatter [tilespmem:s22], [sflag:$0x2], $0x4000, $0x38;
	[tilespmem:$0x8C80] =	vst v63  }
0x192: {  	_ =	swait.ge [sflag:s23], $0x4000  }
0x193: {  	[sflag:s23] =	ssyncset.done $0x0  }
0x194: {  	[sflag:s23] =	ssyncadd.s32 $0xFFFFC000  }
0x195: {  	[tilespmem:s26], [sflag:$0x3] =	stream.linear.gather [hbm4b:s15+s26], $0xC80, $0x38;
	[tilespmem:$0x8C80] =	vst v63  }
0x196: {  	_ =	swait.ge [sflag:s20], $0xC80  }
0x197: {  	[sflag:s20] =	ssyncset.done $0x0  }
0x198: {  	s28 =	simm.s32 $0x400;
	s26 =	simm.s32 $0x0;
	[sflag:s20] =	ssyncadd.s32 $0xFFFFF380  }
.LBB2_26:
0x199: {  	p0 =	sne.s32 s28, $0xFC00;
	[tilespmem:s26+$0xD70] =	vst v0  }
0x19a: {  	[tilespmem:s26+$0xC80] =	vst v0  }
0x19b: {  	[tilespmem:s26+$0xC90] =	vst v0  }
0x19c: {  	[tilespmem:s26+$0xCA0] =	vst v0  }
0x19d: {  	[tilespmem:s26+$0xCB0] =	vst v0  }
0x19e: {  	[tilespmem:s26+$0xCC0] =	vst v0  }
0x19f: {  	[tilespmem:s26+$0xCD0] =	vst v0  }
0x1a0: {  	[tilespmem:s26+$0xCE0] =	vst v0  }
0x1a1: {  	[tilespmem:s26+$0xCF0] =	vst v0  }
0x1a2: {  	[tilespmem:s26+$0xD00] =	vst v0  }
0x1a3: {  	[tilespmem:s26+$0xD10] =	vst v0  }
.Ltmp12:
0x1a4: {  	[tilespmem:s26+$0xD20] =	vst v0;
	(pc) =	sbr.rel @p0 .LBB2_26-.Ltmp12, $4  }
0x1a5: {  	[tilespmem:s26+$0xD30] =	vst v0  }
0x1a6: {  	[tilespmem:s26+$0xD40] =	vst v0  }
0x1a7: {  	[tilespmem:s26+$0xD50] =	vst v0  }
0x1a8: {  	[tilespmem:s26+$0xD60] =	vst v0;
	s26 =	sshra.s32 s28, $0x2;
	s28 =	sadd.s32 $0x400, s28  }
0x1a9: {  	[tilespmem:s26+$0xD70] =	vst v0  }
0x1aa: {  	[tilespmem:s26+$0xC80] =	vst v0  }
0x1ab: {  	[tilespmem:s26+$0xC90] =	vst v0  }
0x1ac: {  	[tilespmem:s26+$0xCA0] =	vst v0  }
0x1ad: {  	[tilespmem:s26+$0xCB0] =	vst v0  }
0x1ae: {  	[tilespmem:s26+$0xCC0] =	vst v0  }
0x1af: {  	[tilespmem:s26+$0xCD0] =	vst v0  }
0x1b0: {  	[tilespmem:s26+$0xCE0] =	vst v0  }
0x1b1: {  	[tilespmem:s26+$0xCF0] =	vst v0  }
0x1b2: {  	[tilespmem:s26+$0xD00] =	vst v0  }
0x1b3: {  	[tilespmem:s26+$0xD10] =	vst v0  }
0x1b4: {  	[tilespmem:s26+$0xD20] =	vst v0  }
0x1b5: {  	[tilespmem:s26+$0xD30] =	vst v0  }
0x1b6: {  	[tilespmem:s26+$0xD40] =	vst v0  }
0x1b7: {  	[tilespmem:s26+$0xD50] =	vst v0  }
0x1b8: {  	[tilespmem:s26+$0xD60] =	vst v0;
	s26 =	simm.s32 $0x3  }
.LBB2_28:
0x1b9: {  	s28 =	sadd.s32 $0xFFFFFFFD, s26  }
0x1ba: {  	v4 =	vadd.s32 s28, v1;
	_ =	sdelay $0x4  }
0x1bb: {  	v4 =	vld.idx.msk [tilespmem:v4+s2+$0x0], $0xffff;
	_ =	sdelay $0x4  }
0x1bc: {  	v4 =	vand.u32 $0x3FF, v4  }
0x1bd: {  	s30 =	sadd.s32 $0xFFFFFFFE, s26;
	v4 =	vor.u32 v2, v4  }
0x1be: {  	v5 =	vadd.s32 s30, v1;
	_ =	sdelay $0x3  }
0x1bf: {  	[tilespmem:v4+s21+$0x0] =	vst.idx.add.f32.msk $0xffff, v3  }
0x1c0: {  	v4 =	vld.idx.msk [tilespmem:v5+s2+$0x0], $0xffff;
	_ =	sdelay $0x4  }
0x1c1: {  	v4 =	vand.u32 $0x3FF, v4  }
0x1c2: {  	s31 =	sadd.s32 $0xFFFFFFFF, s26;
	v4 =	vor.u32 v2, v4  }
0x1c3: {  	v5 =	vadd.s32 s31, v1;
	_ =	sdelay $0x3  }
0x1c4: {  	[tilespmem:v4+s21+$0x0] =	vst.idx.add.f32.msk $0xffff, v3  }
0x1c5: {  	v4 =	vld.idx.msk [tilespmem:v5+s2+$0x0], $0xffff;
	_ =	sdelay $0x4  }
0x1c6: {  	v4 =	vand.u32 $0x3FF, v4  }
0x1c7: {  	v4 =	vor.u32 v2, v4  }
0x1c8: {  	v5 =	vadd.s32 s26, v1;
	_ =	sdelay $0x3  }
0x1c9: {  	[tilespmem:v4+s21+$0x0] =	vst.idx.add.f32.msk $0xffff, v3  }
0x1ca: {  	v4 =	vld.idx.msk [tilespmem:v5+s2+$0x0], $0xffff;
	_ =	sdelay $0x4  }
0x1cb: {  	v4 =	vand.u32 $0x3FF, v4  }
0x1cc: {  	p0 =	sne.s32 s26, $0xC7;
	v4 =	vor.u32 v2, v4  }
.Ltmp13:
0x1cd: {  	_ = 	snop;
	(pc) =	sbr.rel @p0 .LBB2_28-.Ltmp13, $2  }
0x1ce: {  	_ =	sdelay $0x2  }
0x1cf: {  	s26 =	sadd.s32 $0x4, s26;
	[tilespmem:v4+s21+$0x0] =	vst.idx.add.f32.msk $0xffff, v3  }
0x1d0: {  	s26 =	simm.s32 $0x0  }
0x1d1: {  	[hbm4b:s16+s26] =	stream.linear.scatter [tilespmem:s21], [sflag:$0x1], $0x4000, $0x38;
	[tilespmem:$0x8C80] =	vst v63  }
0x1d2: {  	_ =	swait.ge [sflag:s24], $0x4000  }
0x1d3: {  	[sflag:s24] =	ssyncset.done $0x0  }
0x1d4: {  	[sflag:s24] =	ssyncadd.s32 $0xFFFFC000  }
0x1d5: {  	[tilespmem:s26], [sflag:$0x3] =	stream.linear.gather [hbm4b:s17+s26], $0xC80, $0x38;
	[tilespmem:$0x8C80] =	vst v63  }
0x1d6: {  	_ =	swait.ge [sflag:s20], $0xC80  }
0x1d7: {  	[sflag:s20] =	ssyncset.done $0x0  }
0x1d8: {  	s28 =	simm.s32 $0x400;
	s26 =	simm.s32 $0x0;
	[sflag:s20] =	ssyncadd.s32 $0xFFFFF380  }
.LBB2_30:
0x1d9: {  	p0 =	sne.s32 s28, $0xFC00;
	[tilespmem:s26+$0x4D70] =	vst v0  }
0x1da: {  	[tilespmem:s26+$0x4C80] =	vst v0  }
0x1db: {  	[tilespmem:s26+$0x4C90] =	vst v0  }
0x1dc: {  	[tilespmem:s26+$0x4CA0] =	vst v0  }
0x1dd: {  	[tilespmem:s26+$0x4CB0] =	vst v0  }
0x1de: {  	[tilespmem:s26+$0x4CC0] =	vst v0  }
0x1df: {  	[tilespmem:s26+$0x4CD0] =	vst v0  }
0x1e0: {  	[tilespmem:s26+$0x4CE0] =	vst v0  }
0x1e1: {  	[tilespmem:s26+$0x4CF0] =	vst v0  }
0x1e2: {  	[tilespmem:s26+$0x4D00] =	vst v0  }
0x1e3: {  	[tilespmem:s26+$0x4D10] =	vst v0  }
.Ltmp14:
0x1e4: {  	[tilespmem:s26+$0x4D20] =	vst v0;
	(pc) =	sbr.rel @p0 .LBB2_30-.Ltmp14, $4  }
0x1e5: {  	[tilespmem:s26+$0x4D30] =	vst v0  }
0x1e6: {  	[tilespmem:s26+$0x4D40] =	vst v0  }
0x1e7: {  	[tilespmem:s26+$0x4D50] =	vst v0  }
0x1e8: {  	[tilespmem:s26+$0x4D60] =	vst v0;
	s26 =	sshra.s32 s28, $0x2;
	s28 =	sadd.s32 $0x400, s28  }
0x1e9: {  	[tilespmem:s26+$0x4D70] =	vst v0  }
0x1ea: {  	[tilespmem:s26+$0x4C80] =	vst v0  }
0x1eb: {  	[tilespmem:s26+$0x4C90] =	vst v0  }
0x1ec: {  	[tilespmem:s26+$0x4CA0] =	vst v0  }
0x1ed: {  	[tilespmem:s26+$0x4CB0] =	vst v0  }
0x1ee: {  	[tilespmem:s26+$0x4CC0] =	vst v0  }
0x1ef: {  	[tilespmem:s26+$0x4CD0] =	vst v0  }
0x1f0: {  	[tilespmem:s26+$0x4CE0] =	vst v0  }
0x1f1: {  	[tilespmem:s26+$0x4CF0] =	vst v0  }
0x1f2: {  	[tilespmem:s26+$0x4D00] =	vst v0  }
0x1f3: {  	[tilespmem:s26+$0x4D10] =	vst v0  }
0x1f4: {  	[tilespmem:s26+$0x4D20] =	vst v0  }
0x1f5: {  	[tilespmem:s26+$0x4D30] =	vst v0  }
0x1f6: {  	[tilespmem:s26+$0x4D40] =	vst v0  }
0x1f7: {  	[tilespmem:s26+$0x4D50] =	vst v0  }
0x1f8: {  	[tilespmem:s26+$0x4D60] =	vst v0;
	s26 =	simm.s32 $0x3  }
.LBB2_32:
0x1f9: {  	s28 =	sadd.s32 $0xFFFFFFFD, s26  }
0x1fa: {  	v4 =	vadd.s32 s28, v1;
	_ =	sdelay $0x4  }
0x1fb: {  	v4 =	vld.idx.msk [tilespmem:v4+s2+$0x0], $0xffff;
	_ =	sdelay $0x4  }
0x1fc: {  	v4 =	vand.u32 $0x3FF, v4  }
0x1fd: {  	s30 =	sadd.s32 $0xFFFFFFFE, s26;
	v4 =	vor.u32 v2, v4  }
0x1fe: {  	v5 =	vadd.s32 s30, v1;
	_ =	sdelay $0x3  }
0x1ff: {  	[tilespmem:v4+s22+$0x0] =	vst.idx.add.f32.msk $0xffff, v3  }
0x200: {  	v4 =	vld.idx.msk [tilespmem:v5+s2+$0x0], $0xffff;
	_ =	sdelay $0x4  }
0x201: {  	v4 =	vand.u32 $0x3FF, v4  }
0x202: {  	s31 =	sadd.s32 $0xFFFFFFFF, s26;
	v4 =	vor.u32 v2, v4  }
0x203: {  	v5 =	vadd.s32 s31, v1;
	_ =	sdelay $0x3  }
0x204: {  	[tilespmem:v4+s22+$0x0] =	vst.idx.add.f32.msk $0xffff, v3  }
0x205: {  	v4 =	vld.idx.msk [tilespmem:v5+s2+$0x0], $0xffff;
	_ =	sdelay $0x4  }
0x206: {  	v4 =	vand.u32 $0x3FF, v4  }
0x207: {  	v4 =	vor.u32 v2, v4  }
0x208: {  	v5 =	vadd.s32 s26, v1;
	_ =	sdelay $0x3  }
0x209: {  	[tilespmem:v4+s22+$0x0] =	vst.idx.add.f32.msk $0xffff, v3  }
0x20a: {  	v4 =	vld.idx.msk [tilespmem:v5+s2+$0x0], $0xffff;
	_ =	sdelay $0x4  }
0x20b: {  	v4 =	vand.u32 $0x3FF, v4  }
0x20c: {  	p0 =	sne.s32 s26, $0xC7;
	v4 =	vor.u32 v2, v4  }
.Ltmp15:
0x20d: {  	_ = 	snop;
	(pc) =	sbr.rel @p0 .LBB2_32-.Ltmp15, $2  }
0x20e: {  	_ =	sdelay $0x2  }
0x20f: {  	s26 =	sadd.s32 $0x4, s26;
	[tilespmem:v4+s22+$0x0] =	vst.idx.add.f32.msk $0xffff, v3  }
0x210: {  	[hbm4b:s18+s2] =	stream.linear.scatter [tilespmem:s22], [sflag:$0x2], $0x4000, $0x38;
	[tilespmem:$0x8C80] =	vst v63  }
0x211: {  	s25 =	sadd.s32 $0x1, s25  }
0x212: {  	_ =	swait.ge [sflag:s23], $0x4000;
	p0 =	sne.s32 s25, s19  }
.Ltmp16:
0x213: {  	[sflag:s23] =	ssyncset.done $0x0;
	(pc) =	sbr.rel @p0 .LBB2_1-.Ltmp16, $4  }
0x214: {  	[sflag:s23] =	ssyncadd.s32 $0xFFFFC000  }
0x215: {  	_ =	swait.ge [sflag:s24], $0x4000  }
0x216: {  	[sflag:s24] =	ssyncset.done $0x0  }
0x217: {  	[sflag:s24] =	ssyncadd.s32 $0xFFFFC000  }
0x218: {  	_ =	sfence.sel $0x180000  }
0x219: {  	[bflag:$0x0] =	sbarrier.arrive $0xFFFF  }
0x21a: {  	p0 =	sne.s32 s1, $0x0;
	_ =	strace $0x90000047  }
0x21b: {  	s0 =	sadd.s32 @!p0 $0x100000, s0;
	[bflag:$0x2] =	sbarrier.arrive $0xFFFF  }
0x21c: {  	[sflag:s0] =	ssyncadd.tile.s32 @!p0 $0x1;
	_ =	shalt  }
.Lfunc_end2:
_tile_overlayer_lowered:
.L_overlay_start_2:
0x21d: {  	(tag) =	ssettag $0x2  }
0x21e: {  	s0 =	rddreg [dreg:$0x0];
	s2 =	stileid.u32  }
0x21f: {  	s1 =	rddreg [dreg:$0x1];
	p0 =	sne.s32 s2, $0x0  }
0x220: {  	s3 =	rddreg [dreg:$0x2];
	[bflag:$0x3] =	sbarrier.arrive $0xFFFF;
	s2 =	simm.s32 @!p0 $0x1C03  }
0x221: {  	[timem:s3], [sflag:s2] =	dma.local @!p0 [hbm:s0], s1  }
0x222: {  	s0 =	simm.s32 @!p0 $0x3  }
0x223: {  	_ =	swait.ge @!p0 [sflag:s0], s1  }
0x224: {  	s1 =	ssub.s32 @!p0 $0x0, s1;
	[sflag:s0] =	ssyncset.done @!p0 $0x0  }
0x225: {  	[sflag:s0] =	ssyncadd.s32 @!p0 s1  }
0x226: {  	[bflag:$0x3] =	sbarrier.arrive $0xFFFF  }
0x227: {  	_ =	shalt  }

</sc_bundles>
